<compile_context>
chip_gen: v7x
topology: tpu7x:2x2x1
jax: 0.10.2.dev20260603
libtpu: 0.0.44.dev20260713+nightly
codegen_flags: <defaults>
</compile_context>

<pallas_src>
import functools

import jax
import jax.numpy as jnp
from jax import lax
from jax.experimental import pallas as pl
from jax.experimental.pallas import tpu as pltpu
from jax.experimental.pallas import tpu_sc as plsc

BATCH = 16384
D = 32
H1 = 64
H2 = 32
PK = 4
BP = BATCH // PK
TROWS = 1000000 // PK

NC = 2
NS = 16
NW = NC * NS
B_PER_W = BATCH // NW
R_PER_W = B_PER_W // PK
CHUNK = 128

_mesh = plsc.VectorSubcoreMesh(
    core_axis_name="c", subcore_axis_name="s", num_cores=NC, num_subcores=NS
)


@functools.partial(
    pl.kernel,
    out_type=(
        jax.ShapeDtypeStruct((BP * PK * D,), jnp.float32),
        jax.ShapeDtypeStruct((BP * PK * D,), jnp.float32),
    ),
    mesh=_mesh,
    compiler_params=pltpu.CompilerParams(use_tc_tiling_on_sc=True,
                                         needs_layout_passes=False),
    scratch_types=[
        pltpu.VMEM((B_PER_W,), jnp.int32),
        pltpu.VMEM((B_PER_W,), jnp.int32),
        pltpu.VMEM((B_PER_W,), jnp.int32),
        pltpu.VMEM((B_PER_W, PK * D), jnp.float32),
        pltpu.VMEM((B_PER_W * D,), jnp.float32),
        pltpu.SemaphoreType.DMA,
    ],
)
def _sc_gather2(uids_hbm, iids_hbm, utab_hbm, itab_hbm, uout_hbm, iout_hbm,
                ids_v, gidx_v, lane_v, gath_v, outst_v, sem):
    wid = lax.axis_index("s") * NC + lax.axis_index("c")
    base = wid * B_PER_W
    obase = wid * B_PER_W * D

    iota16 = lax.iota(jnp.int32, 16)

    def one_table(ids_hbm, tab_hbm, out_hbm):
        pltpu.sync_copy(ids_hbm.at[pl.ds(base, B_PER_W)], ids_v)

        def idx_body(g, _):
            goff = g * 16
            ids = ids_v[pl.ds(goff, 16)]
            gidx_v[pl.ds(goff, 16)] = lax.bitwise_or(
                lax.shift_left(lax.shift_right_logical(ids, 14), 12),
                lax.bitwise_and(ids, 4095))
            lane_v[pl.ds(goff, 16)] = lax.bitwise_and(
                lax.shift_right_logical(ids, 12), 3)
            return 0

        lax.fori_loop(0, B_PER_W // 16, idx_body, 0)

        copies = [
            pltpu.async_copy(tab_hbm.at[gidx_v.at[pl.ds(k * CHUNK, CHUNK)]],
                             gath_v.at[pl.ds(k * CHUNK, CHUNK)], sem)
            for k in range(B_PER_W // CHUNK)
        ]
        for cp in copies:
            cp.wait()

        def ext_body(g, _):
            flat = g * 16 + iota16
            m = lax.shift_right_logical(flat, 5)
            e = lax.bitwise_and(flat, 31)
            ln = plsc.load_gather(lane_v, [m])
            val = plsc.load_gather(gath_v, [m, ln * D + e])
            outst_v[pl.ds(g * 16, 16)] = val
            return 0

        lax.fori_loop(0, (B_PER_W * D) // 16, ext_body, 0)
        pltpu.sync_copy(outst_v, out_hbm.at[pl.ds(obase, B_PER_W * D)])

    one_table(uids_hbm, utab_hbm, uout_hbm)
    one_table(iids_hbm, itab_hbm, iout_hbm)


def _mlp_body(u_ref, v_ref, w1a_ref, w1b_ref, b1_ref, w2_ref, b2_ref,
              w3_ref, b3_ref, o_ref):
    h = (jnp.dot(u_ref[...], w1a_ref[...], preferred_element_type=jnp.float32)
         + jnp.dot(v_ref[...], w1b_ref[...], preferred_element_type=jnp.float32)
         + b1_ref[...])
    h = jnp.maximum(h, 0.0)
    h = jnp.maximum(
        jnp.dot(h, w2_ref[...], preferred_element_type=jnp.float32) + b2_ref[...],
        0.0)
    o_ref[...] = (jnp.dot(h, w3_ref[...], preferred_element_type=jnp.float32)
                  + b3_ref[...])


_TW = 16384
_TGRID = 62
TROWS_PAD = _TGRID * (_TW // PK)


def _pack_body(x_ref, eye_ref, o_ref):
    x = x_ref[...]
    eye = eye_ref[...]
    q = _TW // PK
    o_ref[...] = jnp.concatenate(
        [lax.dot_general(x[:, k * q:(k + 1) * q], eye, (((0,), (0,)), ((), ())),
                         preferred_element_type=jnp.float32)
         for k in range(PK)], axis=1)


def _tc_pack(tab_t, eye32):
    return pl.pallas_call(
        _pack_body,
        grid=(_TGRID,),
        in_specs=[pl.BlockSpec((D, _TW), lambda i: (0, i)),
                  pl.BlockSpec((D, D), lambda i: (0, 0))],
        out_specs=pl.BlockSpec((_TW // PK, PK * D), lambda i: (i, 0)),
        out_shape=jax.ShapeDtypeStruct((TROWS_PAD, PK * D), jnp.float32),
    )(tab_t, eye32)


_BLK = 1024


def _tc_mlp(u, v, w1a, w1b, b1, w2, b2, w3, b3):
    grid = (BP // _BLK,)
    full = lambda i: (0, 0)
    return pl.pallas_call(
        _mlp_body,
        grid=grid,
        in_specs=[
            pl.BlockSpec((_BLK, PK * D), lambda i: (i, 0)),
            pl.BlockSpec((_BLK, PK * D), lambda i: (i, 0)),
            pl.BlockSpec((PK * D, PK * H1), full),
            pl.BlockSpec((PK * D, PK * H1), full),
            pl.BlockSpec((1, PK * H1), full),
            pl.BlockSpec((PK * H1, PK * H2), full),
            pl.BlockSpec((1, PK * H2), full),
            pl.BlockSpec((PK * H2, PK), full),
            pl.BlockSpec((1, PK), full),
        ],
        out_specs=pl.BlockSpec((_BLK, PK), lambda i: (i, 0)),
        out_shape=jax.ShapeDtypeStruct((BP, PK), jnp.float32),
    )(u, v, w1a, w1b, b1, w2, b2, w3, b3)


def kernel(user_ids, item_ids, user_table, item_table, W1, b1, W2, b2, W3, b3):
    eye32 = jnp.eye(D, dtype=jnp.float32)
    utab4 = _tc_pack(user_table.T, eye32)
    itab4 = _tc_pack(item_table.T, eye32)
    uflat, vflat = _sc_gather2(user_ids.astype(jnp.int32),
                               item_ids.astype(jnp.int32), utab4, itab4)
    u4 = uflat.reshape(BP, PK * D)
    v4 = vflat.reshape(BP, PK * D)
    eye = jnp.eye(PK, dtype=jnp.float32)
    o4 = _tc_mlp(u4, v4, jnp.kron(eye, W1[:D]), jnp.kron(eye, W1[D:]),
                 jnp.tile(b1, PK).reshape(1, PK * H1),
                 jnp.kron(eye, W2), jnp.tile(b2, PK).reshape(1, PK * H2),
                 jnp.kron(eye, W3), jnp.tile(b3, PK).reshape(1, PK))
    return o4.reshape(BATCH, 1)

# --- scband reference (transcript-rebuilt; emitter-appended) ---
"""Pipeline reference for scband-neural-cf-47407849013756 (READ-ONLY COPY).

The authoritative reference and input builder live on the scoring server;
editing this copy changes nothing except your own understanding.
"""

import jax, jax.numpy as jnp
import numpy as np

NUM_USERS = 1000000
NUM_ITEMS = 1000000
EMBED_DIM = 32
BATCH = 16384


def setup_inputs(seed: int = 0) -> dict:
    key = jax.random.key(seed)
    ks = jax.random.split(key, 10)
    user_ids = jax.random.randint(ks[0], (BATCH,), 0, NUM_USERS, dtype=jnp.int64 if jax.config.jax_enable_x64 else jnp.int32)
    item_ids = jax.random.randint(ks[1], (BATCH,), 0, NUM_ITEMS, dtype=jnp.int64 if jax.config.jax_enable_x64 else jnp.int32)
    user_table = jax.random.normal(ks[2], (NUM_USERS, EMBED_DIM), dtype=jnp.float32) * 0.05
    item_table = jax.random.normal(ks[3], (NUM_ITEMS, EMBED_DIM), dtype=jnp.float32) * 0.05
    W1 = jax.random.normal(ks[4], (EMBED_DIM * 2, 64), dtype=jnp.float32) * (1.0 / np.sqrt(EMBED_DIM * 2))
    b1 = jnp.zeros((64,), dtype=jnp.float32)
    W2 = jax.random.normal(ks[5], (64, 32), dtype=jnp.float32) * (1.0 / np.sqrt(64))
    b2 = jnp.zeros((32,), dtype=jnp.float32)
    W3 = jax.random.normal(ks[6], (32, 1), dtype=jnp.float32) * (1.0 / np.sqrt(32))
    b3 = jnp.zeros((1,), dtype=jnp.float32)
    return {
        "user_ids": user_ids,
        "item_ids": item_ids,
        "user_table": user_table,
        "item_table": item_table,
        "W1": W1, "b1": b1,
        "W2": W2, "b2": b2,
        "W3": W3, "b3": b3,
    }


def reference(user_ids, item_ids, user_table, item_table, W1, b1, W2, b2, W3, b3):
    user_vec = jnp.take(user_table, user_ids, axis=0)
    item_vec = jnp.take(item_table, item_ids, axis=0)
    x = jnp.concatenate([user_vec, item_vec], axis=-1)
    x = jax.nn.relu(x @ W1 + b1)
    x = jax.nn.relu(x @ W2 + b2)
    logits = x @ W3 + b3
    return logits

if __name__ == "__main__":
    import jax
    _d = setup_inputs()
    print(jax.jit(kernel)(*tuple(_d.values())))

</pallas_src>

<mosaic_0001>
#map = affine_map<(d0, d1) -> (0)>
#map1 = affine_map<(d0, d1) -> (0, 0)>
module attributes {stable_mosaic.version = 14 : i64} {
  func.func @_sc_gather2(%arg0: i32, %arg1: i32, %arg2: memref<16384xi32, #tpu.memory_space<hbm>>, %arg3: memref<16384xi32, #tpu.memory_space<hbm>>, %arg4: memref<253952x128xf32, #tpu.memory_space<hbm>>, %arg5: memref<253952x128xf32, #tpu.memory_space<hbm>>, %arg6: memref<524288xf32, #tpu.memory_space<hbm>>, %arg7: memref<524288xf32, #tpu.memory_space<hbm>>, %arg8: memref<512xi32, #tpu.memory_space<vmem>>, %arg9: memref<512xi32, #tpu.memory_space<vmem>>, %arg10: memref<512xi32, #tpu.memory_space<vmem>>, %arg11: memref<512x128xf32, #tpu.memory_space<vmem>>, %arg12: memref<16384xf32, #tpu.memory_space<vmem>>, %arg13: memref<!tpu.dma_semaphore, #tpu.memory_space<semaphore_mem>>) attributes {dimension_semantics = [#tpu.dimension_semantics<core_parallel>, #tpu.dimension_semantics<subcore_parallel>], iteration_bounds = array<i64: 2, 16>, scalar_prefetch = 0 : i64, scratch_operands = 6 : i64, tpu.core_type = #tpu.core_type<sc_vector_subcore>, window_params = [{transform_indices = #map}, {transform_indices = #map}, {transform_indices = #map1}, {transform_indices = #map1}, {transform_indices = #map}, {transform_indices = #map}]} {
    %mul3A = arith.constant 2 : i32
    %mul3A_0 = arith.muli %arg1, %mul3A : i32
    %add3A = arith.addi %mul3A_0, %arg0 : i32
    %mul3A_1 = arith.constant 512 : i32
    %mul3A_2 = arith.muli %add3A, %mul3A_1 : i32
    %mul3A_3 = arith.constant 512 : i32
    %mul3A_4 = arith.muli %add3A, %mul3A_3 : i32
    %mul3A_5 = arith.constant 32 : i32
    %mul3A_6 = arith.muli %mul3A_4, %mul3A_5 : i32
    %iota3A = tpu.iota {dimensions = array<i32: 0>} : vector<16xi32>
    "tpu.region"() ({
      %run_scoped3A = tpu.sem_alloc : memref<!tpu.dma_semaphore, #tpu.memory_space<semaphore_mem>>
      %dma_start3A_160 = tpu.memref_slice %arg2[%mul3A_2] : memref<16384xi32, #tpu.memory_space<hbm>> -> memref<512xi32, #tpu.memory_space<hbm>>
      %dma_start3A_161 = tpu.memref_slice %arg2[%mul3A_2] : memref<16384xi32, #tpu.memory_space<hbm>> -> memref<512xi32, #tpu.memory_space<hbm>>
      tpu.enqueue_dma source(%dma_start3A_161 : memref<512xi32, #tpu.memory_space<hbm>>) target(%arg8 : memref<512xi32, #tpu.memory_space<vmem>>) target_semaphore(%run_scoped3A : memref<!tpu.dma_semaphore, #tpu.memory_space<semaphore_mem>>)
      %dma_wait3A_162 = tpu.memref_slice %arg2[%mul3A_2] : memref<16384xi32, #tpu.memory_space<hbm>> -> memref<512xi32, #tpu.memory_space<hbm>>
      %dma_wait3A_163 = tpu.memref_slice %arg2[%mul3A_2] : memref<16384xi32, #tpu.memory_space<hbm>> -> memref<512xi32, #tpu.memory_space<hbm>>
      tpu.wait_dma2 semaphore(%run_scoped3A : memref<!tpu.dma_semaphore, #tpu.memory_space<semaphore_mem>>) src(%dma_wait3A_163 : memref<512xi32, #tpu.memory_space<hbm>>) dst(%arg8 : memref<512xi32, #tpu.memory_space<vmem>>)
      tpu.yield
    }) : () -> ()
    %scan3A = arith.constant 0 : i32
    %scan3A_7 = arith.constant 0 : i32
    %scan3A_8 = arith.constant 32 : i32
    %scan3A_9 = arith.addi %scan3A_7, %scan3A_8 : i32
    %scan3A_10 = arith.constant 1 : i32
    %scan3A_11 = scf.for %scan3A_160 = %scan3A_7 to %scan3A_9 step %scan3A_10 iter_args(%scan3A_161 = %scan3A) -> (i32)  : i32 {
      %mul3A_162 = arith.constant 16 : i32
      %mul3A_163 = arith.muli %scan3A_160, %mul3A_162 : i32
      %get3A = arith.index_cast %mul3A_163 : i32 to index
      %get3A_164 = tpu.vector_load %arg8[%get3A] {strides = array<i32>} : memref<512xi32, #tpu.memory_space<vmem>>, vector<16xi32>,
      %shift_right_logical3A = arith.constant 14 : i32
      %shift_right_logical3A_165 = vector.broadcast %shift_right_logical3A : i32 to vector<16xi32>
      %shift_right_logical3A_166 = arith.shrui %get3A_164, %shift_right_logical3A_165 : vector<16xi32>
      %shift_left3A = arith.constant 12 : i32
      %shift_left3A_167 = vector.broadcast %shift_left3A : i32 to vector<16xi32>
      %shift_left3A_168 = arith.shli %shift_right_logical3A_166, %shift_left3A_167 : vector<16xi32>
      %and3A = arith.constant 4095 : i32
      %and3A_169 = vector.broadcast %and3A : i32 to vector<16xi32>
      %and3A_170 = arith.andi %get3A_164, %and3A_169 : vector<16xi32>
      %or3A = arith.ori %shift_left3A_168, %and3A_170 : vector<16xi32>
      %swap3A = arith.index_cast %mul3A_163 : i32 to index
      %swap3A_171 = tpu.vector_load %arg9[%swap3A] {strides = array<i32>} : memref<512xi32, #tpu.memory_space<vmem>>, vector<16xi32>,
      tpu.vector_store %arg9[%swap3A], %or3A {strides = array<i32>} : memref<512xi32, #tpu.memory_space<vmem>>, vector<16xi32>,
      %shift_right_logical3A_172 = arith.constant 12 : i32
      %shift_right_logical3A_173 = vector.broadcast %shift_right_logical3A_172 : i32 to vector<16xi32>
      %shift_right_logical3A_174 = arith.shrui %get3A_164, %shift_right_logical3A_173 : vector<16xi32>
      %and3A_175 = arith.constant 3 : i32
      %and3A_176 = vector.broadcast %and3A_175 : i32 to vector<16xi32>
      %and3A_177 = arith.andi %shift_right_logical3A_174, %and3A_176 : vector<16xi32>
      %swap3A_178 = arith.index_cast %mul3A_163 : i32 to index
      %swap3A_179 = tpu.vector_load %arg10[%swap3A_178] {strides = array<i32>} : memref<512xi32, #tpu.memory_space<vmem>>, vector<16xi32>,
      tpu.vector_store %arg10[%swap3A_178], %and3A_177 {strides = array<i32>} : memref<512xi32, #tpu.memory_space<vmem>>, vector<16xi32>,
      %scan3A_180 = arith.constant 0 : i32
      scf.yield %scan3A_180 : i32
    }
    %scan3A_12 = arith.constant 32 : i32
    %dma_start3A = arith.constant 0 : i32
    %dma_start3A_13 = arith.constant 0 : i32
    %dma_start3A_14 = tpu.memref_slice %arg11[%dma_start3A, %dma_start3A_13] : memref<512x128xf32, #tpu.memory_space<vmem>> -> memref<128x128xf32, #tpu.memory_space<vmem>>
    %dma_start3A_15 = arith.constant 0 : i32
    %dma_start3A_16 = tpu.memref_slice %arg9[%dma_start3A_15] : memref<512xi32, #tpu.memory_space<vmem>> -> memref<128xi32, #tpu.memory_space<vmem>>
    %dma_start3A_17 = arith.constant 0 : i32
    %dma_start3A_18 = arith.constant 0 : i32
    %dma_start3A_19 = tpu.memref_slice %arg4[%dma_start3A_17, %dma_start3A_18] : memref<253952x128xf32, #tpu.memory_space<hbm>> -> memref<253952x128xf32, #tpu.memory_space<hbm>>
    tpu.enqueue_indirect_dma source(%dma_start3A_19 : memref<253952x128xf32, #tpu.memory_space<hbm>>) target(%dma_start3A_14 : memref<128x128xf32, #tpu.memory_space<vmem>>) offsets(%dma_start3A_16 : memref<128xi32, #tpu.memory_space<vmem>>) semaphore(%arg13 : memref<!tpu.dma_semaphore, #tpu.memory_space<semaphore_mem>>)
    %dma_start3A_20 = arith.constant 128 : i32
    %dma_start3A_21 = arith.constant 0 : i32
    %dma_start3A_22 = tpu.memref_slice %arg11[%dma_start3A_20, %dma_start3A_21] : memref<512x128xf32, #tpu.memory_space<vmem>> -> memref<128x128xf32, #tpu.memory_space<vmem>>
    %dma_start3A_23 = arith.constant 128 : i32
    %dma_start3A_24 = tpu.memref_slice %arg9[%dma_start3A_23] : memref<512xi32, #tpu.memory_space<vmem>> -> memref<128xi32, #tpu.memory_space<vmem>>
    %dma_start3A_25 = arith.constant 0 : i32
    %dma_start3A_26 = arith.constant 0 : i32
    %dma_start3A_27 = tpu.memref_slice %arg4[%dma_start3A_25, %dma_start3A_26] : memref<253952x128xf32, #tpu.memory_space<hbm>> -> memref<253952x128xf32, #tpu.memory_space<hbm>>
    tpu.enqueue_indirect_dma source(%dma_start3A_27 : memref<253952x128xf32, #tpu.memory_space<hbm>>) target(%dma_start3A_22 : memref<128x128xf32, #tpu.memory_space<vmem>>) offsets(%dma_start3A_24 : memref<128xi32, #tpu.memory_space<vmem>>) semaphore(%arg13 : memref<!tpu.dma_semaphore, #tpu.memory_space<semaphore_mem>>)
    %dma_start3A_28 = arith.constant 256 : i32
    %dma_start3A_29 = arith.constant 0 : i32
    %dma_start3A_30 = tpu.memref_slice %arg11[%dma_start3A_28, %dma_start3A_29] : memref<512x128xf32, #tpu.memory_space<vmem>> -> memref<128x128xf32, #tpu.memory_space<vmem>>
    %dma_start3A_31 = arith.constant 256 : i32
    %dma_start3A_32 = tpu.memref_slice %arg9[%dma_start3A_31] : memref<512xi32, #tpu.memory_space<vmem>> -> memref<128xi32, #tpu.memory_space<vmem>>
    %dma_start3A_33 = arith.constant 0 : i32
    %dma_start3A_34 = arith.constant 0 : i32
    %dma_start3A_35 = tpu.memref_slice %arg4[%dma_start3A_33, %dma_start3A_34] : memref<253952x128xf32, #tpu.memory_space<hbm>> -> memref<253952x128xf32, #tpu.memory_space<hbm>>
    tpu.enqueue_indirect_dma source(%dma_start3A_35 : memref<253952x128xf32, #tpu.memory_space<hbm>>) target(%dma_start3A_30 : memref<128x128xf32, #tpu.memory_space<vmem>>) offsets(%dma_start3A_32 : memref<128xi32, #tpu.memory_space<vmem>>) semaphore(%arg13 : memref<!tpu.dma_semaphore, #tpu.memory_space<semaphore_mem>>)
    %dma_start3A_36 = arith.constant 384 : i32
    %dma_start3A_37 = arith.constant 0 : i32
    %dma_start3A_38 = tpu.memref_slice %arg11[%dma_start3A_36, %dma_start3A_37] : memref<512x128xf32, #tpu.memory_space<vmem>> -> memref<128x128xf32, #tpu.memory_space<vmem>>
    %dma_start3A_39 = arith.constant 384 : i32
    %dma_start3A_40 = tpu.memref_slice %arg9[%dma_start3A_39] : memref<512xi32, #tpu.memory_space<vmem>> -> memref<128xi32, #tpu.memory_space<vmem>>
    %dma_start3A_41 = arith.constant 0 : i32
    %dma_start3A_42 = arith.constant 0 : i32
    %dma_start3A_43 = tpu.memref_slice %arg4[%dma_start3A_41, %dma_start3A_42] : memref<253952x128xf32, #tpu.memory_space<hbm>> -> memref<253952x128xf32, #tpu.memory_space<hbm>>
    tpu.enqueue_indirect_dma source(%dma_start3A_43 : memref<253952x128xf32, #tpu.memory_space<hbm>>) target(%dma_start3A_38 : memref<128x128xf32, #tpu.memory_space<vmem>>) offsets(%dma_start3A_40 : memref<128xi32, #tpu.memory_space<vmem>>) semaphore(%arg13 : memref<!tpu.dma_semaphore, #tpu.memory_space<semaphore_mem>>)
    %dma_wait3A = arith.constant 0 : i32
    %dma_wait3A_44 = arith.constant 0 : i32
    %dma_wait3A_45 = tpu.memref_slice %arg11[%dma_wait3A, %dma_wait3A_44] : memref<512x128xf32, #tpu.memory_space<vmem>> -> memref<128x128xf32, #tpu.memory_space<vmem>>
    %dma_wait3A_46 = arith.constant 0 : i32
    %dma_wait3A_47 = tpu.memref_slice %arg9[%dma_wait3A_46] : memref<512xi32, #tpu.memory_space<vmem>> -> memref<128xi32, #tpu.memory_space<vmem>>
    %dma_wait3A_48 = arith.constant 0 : i32
    %dma_wait3A_49 = arith.constant 0 : i32
    %dma_wait3A_50 = tpu.memref_slice %arg4[%dma_wait3A_48, %dma_wait3A_49] : memref<253952x128xf32, #tpu.memory_space<hbm>> -> memref<253952x128xf32, #tpu.memory_space<hbm>>
    tpu.wait_indirect_dma semaphore(%arg13 : memref<!tpu.dma_semaphore, #tpu.memory_space<semaphore_mem>>) src(%dma_wait3A_50 : memref<253952x128xf32, #tpu.memory_space<hbm>>) dst(%dma_wait3A_45 : memref<128x128xf32, #tpu.memory_space<vmem>>)
    %dma_wait3A_51 = arith.constant 128 : i32
    %dma_wait3A_52 = arith.constant 0 : i32
    %dma_wait3A_53 = tpu.memref_slice %arg11[%dma_wait3A_51, %dma_wait3A_52] : memref<512x128xf32, #tpu.memory_space<vmem>> -> memref<128x128xf32, #tpu.memory_space<vmem>>
    %dma_wait3A_54 = arith.constant 128 : i32
    %dma_wait3A_55 = tpu.memref_slice %arg9[%dma_wait3A_54] : memref<512xi32, #tpu.memory_space<vmem>> -> memref<128xi32, #tpu.memory_space<vmem>>
    %dma_wait3A_56 = arith.constant 0 : i32
    %dma_wait3A_57 = arith.constant 0 : i32
    %dma_wait3A_58 = tpu.memref_slice %arg4[%dma_wait3A_56, %dma_wait3A_57] : memref<253952x128xf32, #tpu.memory_space<hbm>> -> memref<253952x128xf32, #tpu.memory_space<hbm>>
    tpu.wait_indirect_dma semaphore(%arg13 : memref<!tpu.dma_semaphore, #tpu.memory_space<semaphore_mem>>) src(%dma_wait3A_58 : memref<253952x128xf32, #tpu.memory_space<hbm>>) dst(%dma_wait3A_53 : memref<128x128xf32, #tpu.memory_space<vmem>>)
    %dma_wait3A_59 = arith.constant 256 : i32
    %dma_wait3A_60 = arith.constant 0 : i32
    %dma_wait3A_61 = tpu.memref_slice %arg11[%dma_wait3A_59, %dma_wait3A_60] : memref<512x128xf32, #tpu.memory_space<vmem>> -> memref<128x128xf32, #tpu.memory_space<vmem>>
    %dma_wait3A_62 = arith.constant 256 : i32
    %dma_wait3A_63 = tpu.memref_slice %arg9[%dma_wait3A_62] : memref<512xi32, #tpu.memory_space<vmem>> -> memref<128xi32, #tpu.memory_space<vmem>>
    %dma_wait3A_64 = arith.constant 0 : i32
    %dma_wait3A_65 = arith.constant 0 : i32
    %dma_wait3A_66 = tpu.memref_slice %arg4[%dma_wait3A_64, %dma_wait3A_65] : memref<253952x128xf32, #tpu.memory_space<hbm>> -> memref<253952x128xf32, #tpu.memory_space<hbm>>
    tpu.wait_indirect_dma semaphore(%arg13 : memref<!tpu.dma_semaphore, #tpu.memory_space<semaphore_mem>>) src(%dma_wait3A_66 : memref<253952x128xf32, #tpu.memory_space<hbm>>) dst(%dma_wait3A_61 : memref<128x128xf32, #tpu.memory_space<vmem>>)
    %dma_wait3A_67 = arith.constant 384 : i32
    %dma_wait3A_68 = arith.constant 0 : i32
    %dma_wait3A_69 = tpu.memref_slice %arg11[%dma_wait3A_67, %dma_wait3A_68] : memref<512x128xf32, #tpu.memory_space<vmem>> -> memref<128x128xf32, #tpu.memory_space<vmem>>
    %dma_wait3A_70 = arith.constant 384 : i32
    %dma_wait3A_71 = tpu.memref_slice %arg9[%dma_wait3A_70] : memref<512xi32, #tpu.memory_space<vmem>> -> memref<128xi32, #tpu.memory_space<vmem>>
    %dma_wait3A_72 = arith.constant 0 : i32
    %dma_wait3A_73 = arith.constant 0 : i32
    %dma_wait3A_74 = tpu.memref_slice %arg4[%dma_wait3A_72, %dma_wait3A_73] : memref<253952x128xf32, #tpu.memory_space<hbm>> -> memref<253952x128xf32, #tpu.memory_space<hbm>>
    tpu.wait_indirect_dma semaphore(%arg13 : memref<!tpu.dma_semaphore, #tpu.memory_space<semaphore_mem>>) src(%dma_wait3A_74 : memref<253952x128xf32, #tpu.memory_space<hbm>>) dst(%dma_wait3A_69 : memref<128x128xf32, #tpu.memory_space<vmem>>)
    %scan3A_75 = arith.constant 0 : i32
    %scan3A_76 = arith.constant 0 : i32
    %scan3A_77 = arith.constant 1024 : i32
    %scan3A_78 = arith.addi %scan3A_76, %scan3A_77 : i32
    %scan3A_79 = arith.constant 1 : i32
    %scan3A_80 = scf.for %scan3A_160 = %scan3A_76 to %scan3A_78 step %scan3A_79 iter_args(%scan3A_161 = %scan3A_75) -> (i32)  : i32 {
      %mul3A_162 = arith.constant 16 : i32
      %mul3A_163 = arith.muli %scan3A_160, %mul3A_162 : i32
      %add3A_164 = vector.broadcast %mul3A_163 : i32 to vector<16xi32>
      %add3A_165 = arith.addi %add3A_164, %iota3A : vector<16xi32>
      %shift_right_logical3A = arith.constant 5 : i32
      %shift_right_logical3A_166 = vector.broadcast %shift_right_logical3A : i32 to vector<16xi32>
      %shift_right_logical3A_167 = arith.shrui %add3A_165, %shift_right_logical3A_166 : vector<16xi32>
      %and3A = arith.constant 31 : i32
      %and3A_168 = vector.broadcast %and3A : i32 to vector<16xi32>
      %and3A_169 = arith.andi %add3A_165, %and3A_168 : vector<16xi32>
      %gather3A = tpu.vector_load_idx %arg10[%shift_right_logical3A_167] : memref<512xi32, #tpu.memory_space<vmem>>[vector<16xi32>], vector<16xi32>,
      %mul3A_170 = arith.constant 32 : i32
      %mul3A_171 = vector.broadcast %mul3A_170 : i32 to vector<16xi32>
      %mul3A_172 = arith.muli %gather3A, %mul3A_171 : vector<16xi32>
      %add3A_173 = arith.addi %mul3A_172, %and3A_169 : vector<16xi32>
      %gather3A_174 = tpu.vector_load_idx %arg11[%shift_right_logical3A_167, %add3A_173] : memref<512x128xf32, #tpu.memory_space<vmem>>[vector<16xi32>, vector<16xi32>], vector<16xf32>,
      %mul3A_175 = arith.constant 16 : i32
      %mul3A_176 = arith.muli %scan3A_160, %mul3A_175 : i32
      %swap3A = arith.index_cast %mul3A_176 : i32 to index
      %swap3A_177 = tpu.vector_load %arg12[%swap3A] {strides = array<i32>} : memref<16384xf32, #tpu.memory_space<vmem>>, vector<16xf32>,
      tpu.vector_store %arg12[%swap3A], %gather3A_174 {strides = array<i32>} : memref<16384xf32, #tpu.memory_space<vmem>>, vector<16xf32>,
      %scan3A_178 = arith.constant 0 : i32
      scf.yield %scan3A_178 : i32
    }
    %scan3A_81 = arith.constant 1024 : i32
    "tpu.region"() ({
      %run_scoped3A = tpu.sem_alloc : memref<!tpu.dma_semaphore, #tpu.memory_space<semaphore_mem>>
      %dma_start3A_160 = tpu.memref_slice %arg6[%mul3A_6] : memref<524288xf32, #tpu.memory_space<hbm>> -> memref<16384xf32, #tpu.memory_space<hbm>>
      %dma_start3A_161 = tpu.memref_slice %arg6[%mul3A_6] : memref<524288xf32, #tpu.memory_space<hbm>> -> memref<16384xf32, #tpu.memory_space<hbm>>
      tpu.enqueue_dma source(%arg12 : memref<16384xf32, #tpu.memory_space<vmem>>) target(%dma_start3A_161 : memref<16384xf32, #tpu.memory_space<hbm>>) target_semaphore(%run_scoped3A : memref<!tpu.dma_semaphore, #tpu.memory_space<semaphore_mem>>)
      %dma_wait3A_162 = tpu.memref_slice %arg6[%mul3A_6] : memref<524288xf32, #tpu.memory_space<hbm>> -> memref<16384xf32, #tpu.memory_space<hbm>>
      %dma_wait3A_163 = tpu.memref_slice %arg6[%mul3A_6] : memref<524288xf32, #tpu.memory_space<hbm>> -> memref<16384xf32, #tpu.memory_space<hbm>>
      tpu.wait_dma2 semaphore(%run_scoped3A : memref<!tpu.dma_semaphore, #tpu.memory_space<semaphore_mem>>) src(%arg12 : memref<16384xf32, #tpu.memory_space<vmem>>) dst(%dma_wait3A_163 : memref<16384xf32, #tpu.memory_space<hbm>>)
      tpu.yield
    }) : () -> ()
    "tpu.region"() ({
      %run_scoped3A = tpu.sem_alloc : memref<!tpu.dma_semaphore, #tpu.memory_space<semaphore_mem>>
      %dma_start3A_160 = tpu.memref_slice %arg3[%mul3A_2] : memref<16384xi32, #tpu.memory_space<hbm>> -> memref<512xi32, #tpu.memory_space<hbm>>
      %dma_start3A_161 = tpu.memref_slice %arg3[%mul3A_2] : memref<16384xi32, #tpu.memory_space<hbm>> -> memref<512xi32, #tpu.memory_space<hbm>>
      tpu.enqueue_dma source(%dma_start3A_161 : memref<512xi32, #tpu.memory_space<hbm>>) target(%arg8 : memref<512xi32, #tpu.memory_space<vmem>>) target_semaphore(%run_scoped3A : memref<!tpu.dma_semaphore, #tpu.memory_space<semaphore_mem>>)
      %dma_wait3A_162 = tpu.memref_slice %arg3[%mul3A_2] : memref<16384xi32, #tpu.memory_space<hbm>> -> memref<512xi32, #tpu.memory_space<hbm>>
      %dma_wait3A_163 = tpu.memref_slice %arg3[%mul3A_2] : memref<16384xi32, #tpu.memory_space<hbm>> -> memref<512xi32, #tpu.memory_space<hbm>>
      tpu.wait_dma2 semaphore(%run_scoped3A : memref<!tpu.dma_semaphore, #tpu.memory_space<semaphore_mem>>) src(%dma_wait3A_163 : memref<512xi32, #tpu.memory_space<hbm>>) dst(%arg8 : memref<512xi32, #tpu.memory_space<vmem>>)
      tpu.yield
    }) : () -> ()
    %scan3A_82 = arith.constant 0 : i32
    %scan3A_83 = arith.constant 0 : i32
    %scan3A_84 = arith.constant 32 : i32
    %scan3A_85 = arith.addi %scan3A_83, %scan3A_84 : i32
    %scan3A_86 = arith.constant 1 : i32
    %scan3A_87 = scf.for %scan3A_160 = %scan3A_83 to %scan3A_85 step %scan3A_86 iter_args(%scan3A_161 = %scan3A_82) -> (i32)  : i32 {
      %mul3A_162 = arith.constant 16 : i32
      %mul3A_163 = arith.muli %scan3A_160, %mul3A_162 : i32
      %get3A = arith.index_cast %mul3A_163 : i32 to index
      %get3A_164 = tpu.vector_load %arg8[%get3A] {strides = array<i32>} : memref<512xi32, #tpu.memory_space<vmem>>, vector<16xi32>,
      %shift_right_logical3A = arith.constant 14 : i32
      %shift_right_logical3A_165 = vector.broadcast %shift_right_logical3A : i32 to vector<16xi32>
      %shift_right_logical3A_166 = arith.shrui %get3A_164, %shift_right_logical3A_165 : vector<16xi32>
      %shift_left3A = arith.constant 12 : i32
      %shift_left3A_167 = vector.broadcast %shift_left3A : i32 to vector<16xi32>
      %shift_left3A_168 = arith.shli %shift_right_logical3A_166, %shift_left3A_167 : vector<16xi32>
      %and3A = arith.constant 4095 : i32
      %and3A_169 = vector.broadcast %and3A : i32 to vector<16xi32>
      %and3A_170 = arith.andi %get3A_164, %and3A_169 : vector<16xi32>
      %or3A = arith.ori %shift_left3A_168, %and3A_170 : vector<16xi32>
      %swap3A = arith.index_cast %mul3A_163 : i32 to index
      %swap3A_171 = tpu.vector_load %arg9[%swap3A] {strides = array<i32>} : memref<512xi32, #tpu.memory_space<vmem>>, vector<16xi32>,
      tpu.vector_store %arg9[%swap3A], %or3A {strides = array<i32>} : memref<512xi32, #tpu.memory_space<vmem>>, vector<16xi32>,
      %shift_right_logical3A_172 = arith.constant 12 : i32
      %shift_right_logical3A_173 = vector.broadcast %shift_right_logical3A_172 : i32 to vector<16xi32>
      %shift_right_logical3A_174 = arith.shrui %get3A_164, %shift_right_logical3A_173 : vector<16xi32>
      %and3A_175 = arith.constant 3 : i32
      %and3A_176 = vector.broadcast %and3A_175 : i32 to vector<16xi32>
      %and3A_177 = arith.andi %shift_right_logical3A_174, %and3A_176 : vector<16xi32>
      %swap3A_178 = arith.index_cast %mul3A_163 : i32 to index
      %swap3A_179 = tpu.vector_load %arg10[%swap3A_178] {strides = array<i32>} : memref<512xi32, #tpu.memory_space<vmem>>, vector<16xi32>,
      tpu.vector_store %arg10[%swap3A_178], %and3A_177 {strides = array<i32>} : memref<512xi32, #tpu.memory_space<vmem>>, vector<16xi32>,
      %scan3A_180 = arith.constant 0 : i32
      scf.yield %scan3A_180 : i32
    }
    %scan3A_88 = arith.constant 32 : i32
    %dma_start3A_89 = arith.constant 0 : i32
    %dma_start3A_90 = arith.constant 0 : i32
    %dma_start3A_91 = tpu.memref_slice %arg11[%dma_start3A_89, %dma_start3A_90] : memref<512x128xf32, #tpu.memory_space<vmem>> -> memref<128x128xf32, #tpu.memory_space<vmem>>
    %dma_start3A_92 = arith.constant 0 : i32
    %dma_start3A_93 = tpu.memref_slice %arg9[%dma_start3A_92] : memref<512xi32, #tpu.memory_space<vmem>> -> memref<128xi32, #tpu.memory_space<vmem>>
    %dma_start3A_94 = arith.constant 0 : i32
    %dma_start3A_95 = arith.constant 0 : i32
    %dma_start3A_96 = tpu.memref_slice %arg5[%dma_start3A_94, %dma_start3A_95] : memref<253952x128xf32, #tpu.memory_space<hbm>> -> memref<253952x128xf32, #tpu.memory_space<hbm>>
    tpu.enqueue_indirect_dma source(%dma_start3A_96 : memref<253952x128xf32, #tpu.memory_space<hbm>>) target(%dma_start3A_91 : memref<128x128xf32, #tpu.memory_space<vmem>>) offsets(%dma_start3A_93 : memref<128xi32, #tpu.memory_space<vmem>>) semaphore(%arg13 : memref<!tpu.dma_semaphore, #tpu.memory_space<semaphore_mem>>)
    %dma_start3A_97 = arith.constant 128 : i32
    %dma_start3A_98 = arith.constant 0 : i32
    %dma_start3A_99 = tpu.memref_slice %arg11[%dma_start3A_97, %dma_start3A_98] : memref<512x128xf32, #tpu.memory_space<vmem>> -> memref<128x128xf32, #tpu.memory_space<vmem>>
    %dma_start3A_100 = arith.constant 128 : i32
    %dma_start3A_101 = tpu.memref_slice %arg9[%dma_start3A_100] : memref<512xi32, #tpu.memory_space<vmem>> -> memref<128xi32, #tpu.memory_space<vmem>>
    %dma_start3A_102 = arith.constant 0 : i32
    %dma_start3A_103 = arith.constant 0 : i32
    %dma_start3A_104 = tpu.memref_slice %arg5[%dma_start3A_102, %dma_start3A_103] : memref<253952x128xf32, #tpu.memory_space<hbm>> -> memref<253952x128xf32, #tpu.memory_space<hbm>>
    tpu.enqueue_indirect_dma source(%dma_start3A_104 : memref<253952x128xf32, #tpu.memory_space<hbm>>) target(%dma_start3A_99 : memref<128x128xf32, #tpu.memory_space<vmem>>) offsets(%dma_start3A_101 : memref<128xi32, #tpu.memory_space<vmem>>) semaphore(%arg13 : memref<!tpu.dma_semaphore, #tpu.memory_space<semaphore_mem>>)
    %dma_start3A_105 = arith.constant 256 : i32
    %dma_start3A_106 = arith.constant 0 : i32
    %dma_start3A_107 = tpu.memref_slice %arg11[%dma_start3A_105, %dma_start3A_106] : memref<512x128xf32, #tpu.memory_space<vmem>> -> memref<128x128xf32, #tpu.memory_space<vmem>>
    %dma_start3A_108 = arith.constant 256 : i32
    %dma_start3A_109 = tpu.memref_slice %arg9[%dma_start3A_108] : memref<512xi32, #tpu.memory_space<vmem>> -> memref<128xi32, #tpu.memory_space<vmem>>
    %dma_start3A_110 = arith.constant 0 : i32
    %dma_start3A_111 = arith.constant 0 : i32
    %dma_start3A_112 = tpu.memref_slice %arg5[%dma_start3A_110, %dma_start3A_111] : memref<253952x128xf32, #tpu.memory_space<hbm>> -> memref<253952x128xf32, #tpu.memory_space<hbm>>
    tpu.enqueue_indirect_dma source(%dma_start3A_112 : memref<253952x128xf32, #tpu.memory_space<hbm>>) target(%dma_start3A_107 : memref<128x128xf32, #tpu.memory_space<vmem>>) offsets(%dma_start3A_109 : memref<128xi32, #tpu.memory_space<vmem>>) semaphore(%arg13 : memref<!tpu.dma_semaphore, #tpu.memory_space<semaphore_mem>>)
    %dma_start3A_113 = arith.constant 384 : i32
    %dma_start3A_114 = arith.constant 0 : i32
    %dma_start3A_115 = tpu.memref_slice %arg11[%dma_start3A_113, %dma_start3A_114] : memref<512x128xf32, #tpu.memory_space<vmem>> -> memref<128x128xf32, #tpu.memory_space<vmem>>
    %dma_start3A_116 = arith.constant 384 : i32
    %dma_start3A_117 = tpu.memref_slice %arg9[%dma_start3A_116] : memref<512xi32, #tpu.memory_space<vmem>> -> memref<128xi32, #tpu.memory_space<vmem>>
    %dma_start3A_118 = arith.constant 0 : i32
    %dma_start3A_119 = arith.constant 0 : i32
    %dma_start3A_120 = tpu.memref_slice %arg5[%dma_start3A_118, %dma_start3A_119] : memref<253952x128xf32, #tpu.memory_space<hbm>> -> memref<253952x128xf32, #tpu.memory_space<hbm>>
    tpu.enqueue_indirect_dma source(%dma_start3A_120 : memref<253952x128xf32, #tpu.memory_space<hbm>>) target(%dma_start3A_115 : memref<128x128xf32, #tpu.memory_space<vmem>>) offsets(%dma_start3A_117 : memref<128xi32, #tpu.memory_space<vmem>>) semaphore(%arg13 : memref<!tpu.dma_semaphore, #tpu.memory_space<semaphore_mem>>)
    %dma_wait3A_121 = arith.constant 0 : i32
    %dma_wait3A_122 = arith.constant 0 : i32
    %dma_wait3A_123 = tpu.memref_slice %arg11[%dma_wait3A_121, %dma_wait3A_122] : memref<512x128xf32, #tpu.memory_space<vmem>> -> memref<128x128xf32, #tpu.memory_space<vmem>>
    %dma_wait3A_124 = arith.constant 0 : i32
    %dma_wait3A_125 = tpu.memref_slice %arg9[%dma_wait3A_124] : memref<512xi32, #tpu.memory_space<vmem>> -> memref<128xi32, #tpu.memory_space<vmem>>
    %dma_wait3A_126 = arith.constant 0 : i32
    %dma_wait3A_127 = arith.constant 0 : i32
    %dma_wait3A_128 = tpu.memref_slice %arg5[%dma_wait3A_126, %dma_wait3A_127] : memref<253952x128xf32, #tpu.memory_space<hbm>> -> memref<253952x128xf32, #tpu.memory_space<hbm>>
    tpu.wait_indirect_dma semaphore(%arg13 : memref<!tpu.dma_semaphore, #tpu.memory_space<semaphore_mem>>) src(%dma_wait3A_128 : memref<253952x128xf32, #tpu.memory_space<hbm>>) dst(%dma_wait3A_123 : memref<128x128xf32, #tpu.memory_space<vmem>>)
    %dma_wait3A_129 = arith.constant 128 : i32
    %dma_wait3A_130 = arith.constant 0 : i32
    %dma_wait3A_131 = tpu.memref_slice %arg11[%dma_wait3A_129, %dma_wait3A_130] : memref<512x128xf32, #tpu.memory_space<vmem>> -> memref<128x128xf32, #tpu.memory_space<vmem>>
    %dma_wait3A_132 = arith.constant 128 : i32
    %dma_wait3A_133 = tpu.memref_slice %arg9[%dma_wait3A_132] : memref<512xi32, #tpu.memory_space<vmem>> -> memref<128xi32, #tpu.memory_space<vmem>>
    %dma_wait3A_134 = arith.constant 0 : i32
    %dma_wait3A_135 = arith.constant 0 : i32
    %dma_wait3A_136 = tpu.memref_slice %arg5[%dma_wait3A_134, %dma_wait3A_135] : memref<253952x128xf32, #tpu.memory_space<hbm>> -> memref<253952x128xf32, #tpu.memory_space<hbm>>
    tpu.wait_indirect_dma semaphore(%arg13 : memref<!tpu.dma_semaphore, #tpu.memory_space<semaphore_mem>>) src(%dma_wait3A_136 : memref<253952x128xf32, #tpu.memory_space<hbm>>) dst(%dma_wait3A_131 : memref<128x128xf32, #tpu.memory_space<vmem>>)
    %dma_wait3A_137 = arith.constant 256 : i32
    %dma_wait3A_138 = arith.constant 0 : i32
    %dma_wait3A_139 = tpu.memref_slice %arg11[%dma_wait3A_137, %dma_wait3A_138] : memref<512x128xf32, #tpu.memory_space<vmem>> -> memref<128x128xf32, #tpu.memory_space<vmem>>
    %dma_wait3A_140 = arith.constant 256 : i32
    %dma_wait3A_141 = tpu.memref_slice %arg9[%dma_wait3A_140] : memref<512xi32, #tpu.memory_space<vmem>> -> memref<128xi32, #tpu.memory_space<vmem>>
    %dma_wait3A_142 = arith.constant 0 : i32
    %dma_wait3A_143 = arith.constant 0 : i32
    %dma_wait3A_144 = tpu.memref_slice %arg5[%dma_wait3A_142, %dma_wait3A_143] : memref<253952x128xf32, #tpu.memory_space<hbm>> -> memref<253952x128xf32, #tpu.memory_space<hbm>>
    tpu.wait_indirect_dma semaphore(%arg13 : memref<!tpu.dma_semaphore, #tpu.memory_space<semaphore_mem>>) src(%dma_wait3A_144 : memref<253952x128xf32, #tpu.memory_space<hbm>>) dst(%dma_wait3A_139 : memref<128x128xf32, #tpu.memory_space<vmem>>)
    %dma_wait3A_145 = arith.constant 384 : i32
    %dma_wait3A_146 = arith.constant 0 : i32
    %dma_wait3A_147 = tpu.memref_slice %arg11[%dma_wait3A_145, %dma_wait3A_146] : memref<512x128xf32, #tpu.memory_space<vmem>> -> memref<128x128xf32, #tpu.memory_space<vmem>>
    %dma_wait3A_148 = arith.constant 384 : i32
    %dma_wait3A_149 = tpu.memref_slice %arg9[%dma_wait3A_148] : memref<512xi32, #tpu.memory_space<vmem>> -> memref<128xi32, #tpu.memory_space<vmem>>
    %dma_wait3A_150 = arith.constant 0 : i32
    %dma_wait3A_151 = arith.constant 0 : i32
    %dma_wait3A_152 = tpu.memref_slice %arg5[%dma_wait3A_150, %dma_wait3A_151] : memref<253952x128xf32, #tpu.memory_space<hbm>> -> memref<253952x128xf32, #tpu.memory_space<hbm>>
    tpu.wait_indirect_dma semaphore(%arg13 : memref<!tpu.dma_semaphore, #tpu.memory_space<semaphore_mem>>) src(%dma_wait3A_152 : memref<253952x128xf32, #tpu.memory_space<hbm>>) dst(%dma_wait3A_147 : memref<128x128xf32, #tpu.memory_space<vmem>>)
    %scan3A_153 = arith.constant 0 : i32
    %scan3A_154 = arith.constant 0 : i32
    %scan3A_155 = arith.constant 1024 : i32
    %scan3A_156 = arith.addi %scan3A_154, %scan3A_155 : i32
    %scan3A_157 = arith.constant 1 : i32
    %scan3A_158 = scf.for %scan3A_160 = %scan3A_154 to %scan3A_156 step %scan3A_157 iter_args(%scan3A_161 = %scan3A_153) -> (i32)  : i32 {
      %mul3A_162 = arith.constant 16 : i32
      %mul3A_163 = arith.muli %scan3A_160, %mul3A_162 : i32
      %add3A_164 = vector.broadcast %mul3A_163 : i32 to vector<16xi32>
      %add3A_165 = arith.addi %add3A_164, %iota3A : vector<16xi32>
      %shift_right_logical3A = arith.constant 5 : i32
      %shift_right_logical3A_166 = vector.broadcast %shift_right_logical3A : i32 to vector<16xi32>
      %shift_right_logical3A_167 = arith.shrui %add3A_165, %shift_right_logical3A_166 : vector<16xi32>
      %and3A = arith.constant 31 : i32
      %and3A_168 = vector.broadcast %and3A : i32 to vector<16xi32>
      %and3A_169 = arith.andi %add3A_165, %and3A_168 : vector<16xi32>
      %gather3A = tpu.vector_load_idx %arg10[%shift_right_logical3A_167] : memref<512xi32, #tpu.memory_space<vmem>>[vector<16xi32>], vector<16xi32>,
      %mul3A_170 = arith.constant 32 : i32
      %mul3A_171 = vector.broadcast %mul3A_170 : i32 to vector<16xi32>
      %mul3A_172 = arith.muli %gather3A, %mul3A_171 : vector<16xi32>
      %add3A_173 = arith.addi %mul3A_172, %and3A_169 : vector<16xi32>
      %gather3A_174 = tpu.vector_load_idx %arg11[%shift_right_logical3A_167, %add3A_173] : memref<512x128xf32, #tpu.memory_space<vmem>>[vector<16xi32>, vector<16xi32>], vector<16xf32>,
      %mul3A_175 = arith.constant 16 : i32
      %mul3A_176 = arith.muli %scan3A_160, %mul3A_175 : i32
      %swap3A = arith.index_cast %mul3A_176 : i32 to index
      %swap3A_177 = tpu.vector_load %arg12[%swap3A] {strides = array<i32>} : memref<16384xf32, #tpu.memory_space<vmem>>, vector<16xf32>,
      tpu.vector_store %arg12[%swap3A], %gather3A_174 {strides = array<i32>} : memref<16384xf32, #tpu.memory_space<vmem>>, vector<16xf32>,
      %scan3A_178 = arith.constant 0 : i32
      scf.yield %scan3A_178 : i32
    }
    %scan3A_159 = arith.constant 1024 : i32
    "tpu.region"() ({
      %run_scoped3A = tpu.sem_alloc : memref<!tpu.dma_semaphore, #tpu.memory_space<semaphore_mem>>
      %dma_start3A_160 = tpu.memref_slice %arg7[%mul3A_6] : memref<524288xf32, #tpu.memory_space<hbm>> -> memref<16384xf32, #tpu.memory_space<hbm>>
      %dma_start3A_161 = tpu.memref_slice %arg7[%mul3A_6] : memref<524288xf32, #tpu.memory_space<hbm>> -> memref<16384xf32, #tpu.memory_space<hbm>>
      tpu.enqueue_dma source(%arg12 : memref<16384xf32, #tpu.memory_space<vmem>>) target(%dma_start3A_161 : memref<16384xf32, #tpu.memory_space<hbm>>) target_semaphore(%run_scoped3A : memref<!tpu.dma_semaphore, #tpu.memory_space<semaphore_mem>>)
      %dma_wait3A_162 = tpu.memref_slice %arg7[%mul3A_6] : memref<524288xf32, #tpu.memory_space<hbm>> -> memref<16384xf32, #tpu.memory_space<hbm>>
      %dma_wait3A_163 = tpu.memref_slice %arg7[%mul3A_6] : memref<524288xf32, #tpu.memory_space<hbm>> -> memref<16384xf32, #tpu.memory_space<hbm>>
      tpu.wait_dma2 semaphore(%run_scoped3A : memref<!tpu.dma_semaphore, #tpu.memory_space<semaphore_mem>>) src(%arg12 : memref<16384xf32, #tpu.memory_space<vmem>>) dst(%dma_wait3A_163 : memref<16384xf32, #tpu.memory_space<hbm>>)
      tpu.yield
    }) : () -> ()
    return
  }
}

module attributes {stable_mosaic.version = 14 : i64} {
  func.func @_pack_body(%arg0: i32, %arg1: memref<32x16384xf32, #tpu.memory_space<vmem>>, %arg2: memref<32x32xf32, #tpu.memory_space<vmem>>, %arg3: memref<4096x128xf32, #tpu.memory_space<vmem>>) attributes {dimension_semantics = [#tpu.dimension_semantics<arbitrary>], iteration_bounds = array<i64: 62>, scalar_prefetch = 0 : i64, scratch_operands = 0 : i64, tpu.core_type = #tpu.core_type<tc>, window_params = [{transform_indices = @transform_0, window_bounds = array<i64: 32, 16384>}, {pipeline_mode = #tpu.pipeline_mode<synchronous>, transform_indices = @transform_1, window_bounds = array<i64: 32, 32>}, {transform_indices = @transform_2, window_bounds = array<i64: 4096, 128>}]} {
    %get3A = arith.constant 0 : index
    %get3A_0 = arith.constant 0 : index
    %get3A_1 = vector.load %arg1[%get3A, %get3A_0] : memref<32x16384xf32, #tpu.memory_space<vmem>>, vector<32x16384xf32>
    %get3A_2 = arith.constant 0 : index
    %get3A_3 = arith.constant 0 : index
    %get3A_4 = vector.load %arg2[%get3A_2, %get3A_3] : memref<32x32xf32, #tpu.memory_space<vmem>>, vector<32x32xf32>
    %slice3A = vector.extract_strided_slice %get3A_1 {offsets = [0, 0], sizes = [32, 4096], strides = [1, 1]} : vector<32x16384xf32> to vector<32x4096xf32>
    %dot_general3A = arith.constant dense<0.000000e+00> : vector<4096x32xf32>
    %dot_general3A_5 = tpu.matmul %slice3A, %get3A_4, %dot_general3A {dimension_numbers = #tpu.dot_dimension_numbers<[0], [0], [1], [1], [0, 1, 1, 1], [], []>, transpose_lhs_hint = false} : vector<32x4096xf32>, vector<32x32xf32>, vector<4096x32xf32> -> vector<4096x32xf32>
    %slice3A_6 = vector.extract_strided_slice %get3A_1 {offsets = [0, 4096], sizes = [32, 4096], strides = [1, 1]} : vector<32x16384xf32> to vector<32x4096xf32>
    %dot_general3A_7 = arith.constant dense<0.000000e+00> : vector<4096x32xf32>
    %dot_general3A_8 = tpu.matmul %slice3A_6, %get3A_4, %dot_general3A_7 {dimension_numbers = #tpu.dot_dimension_numbers<[0], [0], [1], [1], [0, 1, 1, 1], [], []>, transpose_lhs_hint = false} : vector<32x4096xf32>, vector<32x32xf32>, vector<4096x32xf32> -> vector<4096x32xf32>
    %slice3A_9 = vector.extract_strided_slice %get3A_1 {offsets = [0, 8192], sizes = [32, 4096], strides = [1, 1]} : vector<32x16384xf32> to vector<32x4096xf32>
    %dot_general3A_10 = arith.constant dense<0.000000e+00> : vector<4096x32xf32>
    %dot_general3A_11 = tpu.matmul %slice3A_9, %get3A_4, %dot_general3A_10 {dimension_numbers = #tpu.dot_dimension_numbers<[0], [0], [1], [1], [0, 1, 1, 1], [], []>, transpose_lhs_hint = false} : vector<32x4096xf32>, vector<32x32xf32>, vector<4096x32xf32> -> vector<4096x32xf32>
    %slice3A_12 = vector.extract_strided_slice %get3A_1 {offsets = [0, 12288], sizes = [32, 4096], strides = [1, 1]} : vector<32x16384xf32> to vector<32x4096xf32>
    %dot_general3A_13 = arith.constant dense<0.000000e+00> : vector<4096x32xf32>
    %dot_general3A_14 = tpu.matmul %slice3A_12, %get3A_4, %dot_general3A_13 {dimension_numbers = #tpu.dot_dimension_numbers<[0], [0], [1], [1], [0, 1, 1, 1], [], []>, transpose_lhs_hint = false} : vector<32x4096xf32>, vector<32x32xf32>, vector<4096x32xf32> -> vector<4096x32xf32>
    %concatenate3A = tpu.concatenate %dot_general3A_5, %dot_general3A_8, %dot_general3A_11, %dot_general3A_14 in 1 : vector<4096x32xf32>, vector<4096x32xf32>, vector<4096x32xf32>, vector<4096x32xf32> -> vector<4096x128xf32>
    %swap3A = arith.constant 0 : index
    %swap3A_15 = arith.constant 0 : index
    %swap3A_16 = vector.load %arg3[%swap3A, %swap3A_15] : memref<4096x128xf32, #tpu.memory_space<vmem>>, vector<4096x128xf32>
    tpu.vector_store %arg3[%swap3A, %swap3A_15], %concatenate3A {strides = array<i32>} : memref<4096x128xf32, #tpu.memory_space<vmem>>, vector<4096x128xf32>,
    return
  }
  func.func @transform_0(%arg0: i32) -> (i32, i32) {
    %c0_i32 = arith.constant 0 : i32
    %c0_i32_0 = arith.constant 0 : i32
    return %c0_i32, %arg0 : i32, i32
  }
  func.func @transform_1(%arg0: i32) -> (i32, i32) {
    %c0_i32 = arith.constant 0 : i32
    %c0_i32_0 = arith.constant 0 : i32
    %c0_i32_1 = arith.constant 0 : i32
    return %c0_i32, %c0_i32_0 : i32, i32
  }
  func.func @transform_2(%arg0: i32) -> (i32, i32) {
    %c0_i32 = arith.constant 0 : i32
    %c0_i32_0 = arith.constant 0 : i32
    return %arg0, %c0_i32 : i32, i32
  }
}

module attributes {stable_mosaic.version = 14 : i64} {
  func.func @_mlp_body(%arg0: i32, %arg1: memref<1024x128xf32, #tpu.memory_space<vmem>>, %arg2: memref<1024x128xf32, #tpu.memory_space<vmem>>, %arg3: memref<128x256xf32, #tpu.memory_space<vmem>>, %arg4: memref<128x256xf32, #tpu.memory_space<vmem>>, %arg5: memref<1x256xf32, #tpu.memory_space<vmem>>, %arg6: memref<256x128xf32, #tpu.memory_space<vmem>>, %arg7: memref<1x128xf32, #tpu.memory_space<vmem>>, %arg8: memref<128x4xf32, #tpu.memory_space<vmem>>, %arg9: memref<1x4xf32, #tpu.memory_space<vmem>>, %arg10: memref<1024x4xf32, #tpu.memory_space<vmem>>) attributes {dimension_semantics = [#tpu.dimension_semantics<arbitrary>], iteration_bounds = array<i64: 4>, scalar_prefetch = 0 : i64, scratch_operands = 0 : i64, tpu.core_type = #tpu.core_type<tc>, window_params = [{transform_indices = @transform_0, window_bounds = array<i64: 1024, 128>}, {transform_indices = @transform_1, window_bounds = array<i64: 1024, 128>}, {pipeline_mode = #tpu.pipeline_mode<synchronous>, transform_indices = @transform_2, window_bounds = array<i64: 128, 256>}, {pipeline_mode = #tpu.pipeline_mode<synchronous>, transform_indices = @transform_3, window_bounds = array<i64: 128, 256>}, {pipeline_mode = #tpu.pipeline_mode<synchronous>, transform_indices = @transform_4, window_bounds = array<i64: 1, 256>}, {pipeline_mode = #tpu.pipeline_mode<synchronous>, transform_indices = @transform_5, window_bounds = array<i64: 256, 128>}, {pipeline_mode = #tpu.pipeline_mode<synchronous>, transform_indices = @transform_6, window_bounds = array<i64: 1, 128>}, {pipeline_mode = #tpu.pipeline_mode<synchronous>, transform_indices = @transform_7, window_bounds = array<i64: 128, 4>}, {pipeline_mode = #tpu.pipeline_mode<synchronous>, transform_indices = @transform_8, window_bounds = array<i64: 1, 4>}, {transform_indices = @transform_9, window_bounds = array<i64: 1024, 4>}]} {
    %get3A = arith.constant 0 : index
    %get3A_0 = arith.constant 0 : index
    %get3A_1 = vector.load %arg1[%get3A, %get3A_0] : memref<1024x128xf32, #tpu.memory_space<vmem>>, vector<1024x128xf32>
    %get3A_2 = arith.constant 0 : index
    %get3A_3 = arith.constant 0 : index
    %get3A_4 = vector.load %arg3[%get3A_2, %get3A_3] : memref<128x256xf32, #tpu.memory_space<vmem>>, vector<128x256xf32>
    %dot_general3A = arith.constant dense<0.000000e+00> : vector<1024x256xf32>
    %dot_general3A_5 = tpu.matmul %get3A_1, %get3A_4, %dot_general3A {dimension_numbers = #tpu.dot_dimension_numbers<[1], [0], [0], [1], [0, 0, 1, 1], [], []>, transpose_lhs_hint = false} : vector<1024x128xf32>, vector<128x256xf32>, vector<1024x256xf32> -> vector<1024x256xf32>
    %get3A_6 = arith.constant 0 : index
    %get3A_7 = arith.constant 0 : index
    %get3A_8 = vector.load %arg2[%get3A_6, %get3A_7] : memref<1024x128xf32, #tpu.memory_space<vmem>>, vector<1024x128xf32>
    %get3A_9 = arith.constant 0 : index
    %get3A_10 = arith.constant 0 : index
    %get3A_11 = vector.load %arg4[%get3A_9, %get3A_10] : memref<128x256xf32, #tpu.memory_space<vmem>>, vector<128x256xf32>
    %dot_general3A_12 = arith.constant dense<0.000000e+00> : vector<1024x256xf32>
    %dot_general3A_13 = tpu.matmul %get3A_8, %get3A_11, %dot_general3A_12 {dimension_numbers = #tpu.dot_dimension_numbers<[1], [0], [0], [1], [0, 0, 1, 1], [], []>, transpose_lhs_hint = false} : vector<1024x128xf32>, vector<128x256xf32>, vector<1024x256xf32> -> vector<1024x256xf32>
    %add3A = arith.addf %dot_general3A_5, %dot_general3A_13 : vector<1024x256xf32>
    %get3A_14 = arith.constant 0 : index
    %get3A_15 = arith.constant 0 : index
    %get3A_16 = vector.load %arg5[%get3A_14, %get3A_15] : memref<1x256xf32, #tpu.memory_space<vmem>>, vector<1x256xf32>
    %add3A_17 = vector.broadcast %get3A_16 : vector<1x256xf32> to vector<1024x256xf32>
    %add3A_18 = arith.addf %add3A, %add3A_17 : vector<1024x256xf32>
    %max3A = arith.constant 0.000000e+00 : f32
    %max3A_19 = vector.broadcast %max3A : f32 to vector<1024x256xf32>
    %max3A_20 = arith.maximumf %add3A_18, %max3A_19 : vector<1024x256xf32>
    %get3A_21 = arith.constant 0 : index
    %get3A_22 = arith.constant 0 : index
    %get3A_23 = vector.load %arg6[%get3A_21, %get3A_22] : memref<256x128xf32, #tpu.memory_space<vmem>>, vector<256x128xf32>
    %dot_general3A_24 = arith.constant dense<0.000000e+00> : vector<1024x128xf32>
    %dot_general3A_25 = tpu.matmul %max3A_20, %get3A_23, %dot_general3A_24 {dimension_numbers = #tpu.dot_dimension_numbers<[1], [0], [0], [1], [0, 0, 1, 1], [], []>, transpose_lhs_hint = false} : vector<1024x256xf32>, vector<256x128xf32>, vector<1024x128xf32> -> vector<1024x128xf32>
    %get3A_26 = arith.constant 0 : index
    %get3A_27 = arith.constant 0 : index
    %get3A_28 = vector.load %arg7[%get3A_26, %get3A_27] : memref<1x128xf32, #tpu.memory_space<vmem>>, vector<1x128xf32>
    %add3A_29 = vector.broadcast %get3A_28 : vector<1x128xf32> to vector<1024x128xf32>
    %add3A_30 = arith.addf %dot_general3A_25, %add3A_29 : vector<1024x128xf32>
    %max3A_31 = arith.constant 0.000000e+00 : f32
    %max3A_32 = vector.broadcast %max3A_31 : f32 to vector<1024x128xf32>
    %max3A_33 = arith.maximumf %add3A_30, %max3A_32 : vector<1024x128xf32>
    %get3A_34 = arith.constant 0 : index
    %get3A_35 = arith.constant 0 : index
    %get3A_36 = vector.load %arg8[%get3A_34, %get3A_35] : memref<128x4xf32, #tpu.memory_space<vmem>>, vector<128x4xf32>
    %dot_general3A_37 = arith.constant dense<0.000000e+00> : vector<1024x4xf32>
    %dot_general3A_38 = tpu.matmul %max3A_33, %get3A_36, %dot_general3A_37 {dimension_numbers = #tpu.dot_dimension_numbers<[1], [0], [0], [1], [0, 0, 1, 1], [], []>, transpose_lhs_hint = false} : vector<1024x128xf32>, vector<128x4xf32>, vector<1024x4xf32> -> vector<1024x4xf32>
    %get3A_39 = arith.constant 0 : index
    %get3A_40 = arith.constant 0 : index
    %get3A_41 = vector.load %arg9[%get3A_39, %get3A_40] : memref<1x4xf32, #tpu.memory_space<vmem>>, vector<1x4xf32>
    %add3A_42 = vector.broadcast %get3A_41 : vector<1x4xf32> to vector<1024x4xf32>
    %add3A_43 = arith.addf %dot_general3A_38, %add3A_42 : vector<1024x4xf32>
    %swap3A = arith.constant 0 : index
    %swap3A_44 = arith.constant 0 : index
    %swap3A_45 = vector.load %arg10[%swap3A, %swap3A_44] : memref<1024x4xf32, #tpu.memory_space<vmem>>, vector<1024x4xf32>
    tpu.vector_store %arg10[%swap3A, %swap3A_44], %add3A_43 {strides = array<i32>} : memref<1024x4xf32, #tpu.memory_space<vmem>>, vector<1024x4xf32>,
    return
  }
  func.func @transform_0(%arg0: i32) -> (i32, i32) {
    %c0_i32 = arith.constant 0 : i32
    %c0_i32_0 = arith.constant 0 : i32
    return %arg0, %c0_i32 : i32, i32
  }
  func.func @transform_1(%arg0: i32) -> (i32, i32) {
    %c0_i32 = arith.constant 0 : i32
    %c0_i32_0 = arith.constant 0 : i32
    return %arg0, %c0_i32 : i32, i32
  }
  func.func @transform_2(%arg0: i32) -> (i32, i32) {
    %c0_i32 = arith.constant 0 : i32
    %c0_i32_0 = arith.constant 0 : i32
    %c0_i32_1 = arith.constant 0 : i32
    return %c0_i32, %c0_i32_0 : i32, i32
  }
  func.func @transform_3(%arg0: i32) -> (i32, i32) {
    %c0_i32 = arith.constant 0 : i32
    %c0_i32_0 = arith.constant 0 : i32
    %c0_i32_1 = arith.constant 0 : i32
    return %c0_i32, %c0_i32_0 : i32, i32
  }
  func.func @transform_4(%arg0: i32) -> (i32, i32) {
    %c0_i32 = arith.constant 0 : i32
    %c0_i32_0 = arith.constant 0 : i32
    %c0_i32_1 = arith.constant 0 : i32
    return %c0_i32, %c0_i32_0 : i32, i32
  }
  func.func @transform_5(%arg0: i32) -> (i32, i32) {
    %c0_i32 = arith.constant 0 : i32
    %c0_i32_0 = arith.constant 0 : i32
    %c0_i32_1 = arith.constant 0 : i32
    return %c0_i32, %c0_i32_0 : i32, i32
  }
  func.func @transform_6(%arg0: i32) -> (i32, i32) {
    %c0_i32 = arith.constant 0 : i32
    %c0_i32_0 = arith.constant 0 : i32
    %c0_i32_1 = arith.constant 0 : i32
    return %c0_i32, %c0_i32_0 : i32, i32
  }
  func.func @transform_7(%arg0: i32) -> (i32, i32) {
    %c0_i32 = arith.constant 0 : i32
    %c0_i32_0 = arith.constant 0 : i32
    %c0_i32_1 = arith.constant 0 : i32
    return %c0_i32, %c0_i32_0 : i32, i32
  }
  func.func @transform_8(%arg0: i32) -> (i32, i32) {
    %c0_i32 = arith.constant 0 : i32
    %c0_i32_0 = arith.constant 0 : i32
    %c0_i32_1 = arith.constant 0 : i32
    return %c0_i32, %c0_i32_0 : i32, i32
  }
  func.func @transform_9(%arg0: i32) -> (i32, i32) {
    %c0_i32 = arith.constant 0 : i32
    %c0_i32_0 = arith.constant 0 : i32
    return %arg0, %c0_i32 : i32, i32
  }
}

</mosaic_0001>

<sc_bundles>
// kernel: kernel.6.cloned.1.call-start
scs
__scs_entry_jumppad:
0x0: {  	(pc) =	sbr.rel $0x88, $3  }
0x1: {  	(tag) =	ssettag $0x0;
	lr =	simm.s32 $0x1  }
0x2: {  	[smem:$0x3F97] =	sst lr;
	_ =	strace $0xD0000000  }
0x3: {  	_ = 	snop  }
0x4: {  	_ = 	snop  }
0x5: {  	_ = 	snop  }
0x6: {  	_ = 	snop  }
0x7: {  	_ = 	snop  }
__scs_overlays_trampoline_lowered:
0x8: {  	[smem:$0x3FA6] =	sst s0  }
0x9: {  	[smem:$0x3FA7] =	sst s1  }
0xa: {  	[smem:$0x3FA8] =	sst s2  }
0xb: {  	[smem:$0x3FA9] =	sst s3  }
0xc: {  	[smem:$0x3FAA] =	sst s4  }
0xd: {  	[smem:$0x3FAB] =	sst s5  }
0xe: {  	[smem:$0x3FAC] =	sst s6  }
0xf: {  	[smem:$0x3FAD] =	sst s7  }
0x10: {  	[smem:$0x3FAE] =	sst s8  }
0x11: {  	[smem:$0x3FAF] =	sst s9;
	s0 =	simm.s32 @!p0 $0x0  }
0x12: {  	s1 =	sld [smem:$0x3F95];
	s0 =	simm.s32 @p0 $0x1  }
0x13: {  	[smem:$0x3FB0] =	sst s0;
	s0 =	simm.s32 @!p1 $0x0  }
0x14: {  	s2 =	sld [smem:$0x3F94];
	s0 =	simm.s32 @p1 $0x1  }
0x15: {  	[smem:$0x3FB1] =	sst s0;
	s0 =	simm.s32 @!p2 $0x0  }
0x16: {  	s3 =	sld [smem:$0x3FDB];
	s0 =	simm.s32 @p2 $0x1  }
0x17: {  	s4 =	simm.s32 $0x1BF5;
	[smem:$0x3FB3] =	sst s0  }
0x18: {  	s0 =	sld [smem:$0x3F96];
	_ =	swait.ge [sflag:s4], $0x0  }
0x19: {  	s7 =	sld [smem:$0x3F97]  }
0x1a: {  	s8 =	sadd.s32 $0xFFFFE003, lr  }
0x1b: {  	s9 =	sadd.s32 $0xFFFFFEF7, lr;
	s5 =	simm.s32 $0xFFFFFFFF;
	p2 =	slt.u32 s8, $0xFFFFF086  }
0x1c: {  	p1 =	slt.u32 s9, $0xF7A;
	s5 =	simm.s32 @!p2 $0x0  }
0x1d: {  	s5 =	simm.s32 @p1 $0x1;
	p0 =	seq.s32 s7, s2  }
0x1e: {  	s7 =	smul.u32 @!p0 $0xF7A, s2;
	p2 =	seq.s32 @!p0 s5, $0x0  }
0x1f: {  	s9 =	smul.u32 $0xF7A, s1;
	s8 =	simm.s32 @!p0 $0x1BF5;
	p2 =	por !p2, p0  }
0x20: {  	[sflag:s8] =	ssyncset.s32 @!p0 $0xFFFFF086;
	s6 =	sadd.s32 @!p0 s3, s7;
	s7 =	simm.s32 @!p0 $0x108  }
0x21: {  	s3 =	sadd.s32 s3, s9;
	s6 =	sadd.s32 @!p0 $0x88, s6;
	s7 =	simm.s32 @p2 $0x1082  }
0x22: {  	[simem:s7], [sflag:s8] =	dma.local @!p0 [hbm:s6], $0xF7A  }
0x23: {  	s9 =	sor.u32 $0xD0000000, s2;
	s6 =	simm.s32 $0x108;
	_ =	swait.ge @!p0 [sflag:s8], $0x0  }
0x24: {  	s3 =	sadd.s32 $0x88, s3;
	s6 =	simm.s32 @!p1 $0x1082;
	[sflag:s4] =	ssyncset.s32 $0xFFFFF086  }
0x25: {  	[simem:s6], [sflag:s4] =	dma.local [hbm:s3], $0xF7A  }
0x26: {  	[smem:$0x3F97] =	sst s1;
	(tag) =	ssettag s2;
	_ =	strace s9  }
0x27: {  	s1 =	sld [smem:$0x3FA7]  }
0x28: {  	s2 =	sld [smem:$0x3FA8]  }
0x29: {  	s4 =	sld [smem:$0x3FAA]  }
0x2a: {  	p0 =	seq.s32 s5, $0x0;
	s5 =	sld [smem:$0x3FAB]  }
0x2b: {  	s6 =	sld [smem:$0x3FAC]  }
0x2c: {  	s7 =	sld [smem:$0x3FAD]  }
0x2d: {  	s3 =	simm.s32 $0x108;
	s8 =	sld [smem:$0x3FAE]  }
0x2e: {  	s3 =	simm.s32 @!p0 $0x1082;
	s9 =	sld [smem:$0x3FAF]  }
0x2f: {  	lr =	sadd.s32 s0, s3;
	s0 =	sld [smem:$0x3FA6]  }
0x30: {  	s3 =	sld [smem:$0x3FA9]  }
0x31: {  	[smem:$0x3FB2] =	sst s10  }
0x32: {  	s10 =	sld [smem:$0x3FB0];
	_ =	sdelay $0x3  }
0x33: {  	p0 =	seq.s32 s10, $0x1;
	s10 =	sld [smem:$0x3FB2];
	_ =	sdelay $0x3  }
0x34: {  	[smem:$0x3FB2] =	sst s10  }
0x35: {  	s10 =	sld [smem:$0x3FB1];
	_ =	sdelay $0x3  }
0x36: {  	p1 =	seq.s32 s10, $0x1;
	s10 =	sld [smem:$0x3FB2];
	_ =	sdelay $0x3  }
0x37: {  	[smem:$0x3FB2] =	sst s10  }
0x38: {  	s10 =	sld [smem:$0x3FB3]  }
0x39: {  	_ = 	snop;
	(pc) =	sbr.ind lr, $3  }
0x3a: {  	_ = 	snop  }
0x3b: {  	_ = 	snop  }
0x3c: {  	p2 =	seq.s32 s10, $0x1;
	s10 =	sld [smem:$0x3FB2]  }
0x3d: {  	_ =	shalt  }
0x3e: {  	_ =	shalt  }
0x3f: {  	_ =	shalt  }
0x40: {  	_ =	shalt  }
0x41: {  	_ =	shalt  }
0x42: {  	_ =	shalt  }
0x43: {  	_ =	shalt  }
0x44: {  	_ =	shalt  }
0x45: {  	_ =	shalt  }
0x46: {  	_ =	shalt  }
0x47: {  	_ =	shalt  }
0x48: {  	_ =	shalt  }
0x49: {  	_ =	shalt  }
0x4a: {  	_ =	shalt  }
0x4b: {  	_ =	shalt  }
0x4c: {  	_ =	shalt  }
0x4d: {  	_ =	shalt  }
0x4e: {  	_ =	shalt  }
0x4f: {  	_ =	shalt  }
0x50: {  	_ =	shalt  }
0x51: {  	_ =	shalt  }
0x52: {  	_ =	shalt  }
0x53: {  	_ =	shalt  }
0x54: {  	_ =	shalt  }
0x55: {  	_ =	shalt  }
0x56: {  	_ =	shalt  }
0x57: {  	_ =	shalt  }
0x58: {  	_ =	shalt  }
0x59: {  	_ =	shalt  }
0x5a: {  	_ =	shalt  }
0x5b: {  	_ =	shalt  }
0x5c: {  	_ =	shalt  }
0x5d: {  	_ =	shalt  }
0x5e: {  	_ =	shalt  }
0x5f: {  	_ =	shalt  }
0x60: {  	_ =	shalt  }
0x61: {  	_ =	shalt  }
0x62: {  	_ =	shalt  }
0x63: {  	_ =	shalt  }
0x64: {  	_ =	shalt  }
0x65: {  	_ =	shalt  }
0x66: {  	_ =	shalt  }
0x67: {  	_ =	shalt  }
0x68: {  	_ =	shalt  }
0x69: {  	_ =	shalt  }
0x6a: {  	_ =	shalt  }
0x6b: {  	_ =	shalt  }
0x6c: {  	_ =	shalt  }
0x6d: {  	_ =	shalt  }
0x6e: {  	_ =	shalt  }
0x6f: {  	_ =	shalt  }
0x70: {  	_ =	shalt  }
0x71: {  	_ =	shalt  }
0x72: {  	_ =	shalt  }
0x73: {  	_ =	shalt  }
0x74: {  	_ =	shalt  }
0x75: {  	_ =	shalt  }
0x76: {  	_ =	shalt  }
0x77: {  	_ =	shalt  }
0x78: {  	_ =	shalt  }
0x79: {  	_ =	shalt  }
0x7a: {  	_ =	shalt  }
0x7b: {  	_ =	shalt  }
0x7c: {  	_ =	shalt  }
0x7d: {  	_ =	shalt  }
0x7e: {  	_ =	shalt  }
0x7f: {  	_ =	shalt  }
0x80: {  	_ =	shalt  }
0x81: {  	_ =	shalt  }
0x82: {  	_ =	shalt  }
0x83: {  	_ =	shalt  }
0x84: {  	_ =	shalt  }
0x85: {  	_ =	shalt  }
0x86: {  	_ =	shalt  }
0x87: {  	_ =	shalt  }
.Lfunc_end0:
.L_simem_size_0:
called_computation_lowered:
.L_overlay_start_0:
0x88: {  	s2 =	sld [smem:$0x3FD9]  }
0x89: {  	s3 =	sld [smem:$0x3FFE];
	_ =	sdelay $0x1  }
0x8a: {  	s1 =	srdreg.scid  }
0x8b: {  	s0 =	sand.u32 $0x1, s1  }
0x8c: {  	s17 =	sshll.u32 s0, $0xA;
	s2 =	sadd.s32 s3, s2  }
0x8d: {  	s2 =	sadd.s32 s2, s17  }
0x8e: {  	[smem:$0x3FBE] =	sst s2  }
0x8f: {  	_ = 	snop  }
0x90: {  	s2 =	sld [smem:$0x3FC9]  }
0x91: {  	s18 =	sld [smem:$0x3FC8];
	(tm) =	ssettm $0x1  }
0x92: {  	s4 =	sld [smem:$0x3FFB];
	_ =	sdelay $0x3  }
0x93: {  	_ =	strace s4  }
0x94: {  	s4 =	sld [smem:$0x3FFC];
	_ =	sdelay $0x3  }
0x95: {  	_ =	strace s4  }
0x96: {  	s4 =	sld [smem:$0x3FFD];
	_ =	sdelay $0x3  }
0x97: {  	_ =	strace s4  }
0x98: {  	_ =	strace $0x8FFFFFFF  }
0x99: {  	s19 =	sld [smem:$0x3FDB];
	_ =	sdelay $0x1  }
0x9a: {  	s5 =	simm.s32 $_scs_section_size  }
0x9b: {  	s6 =	simm.s32 $_size__tile_overlayer_lowered;
	s7 =	simm.s32 $_tile_overlayer_lowered  }
0x9c: {  	s22 =	simm.s32 $0x1BFF;
	s21 =	sshll.u32 s7, $0x1;
	s4 =	sadd.s32 s5, s19  }
0x9d: {  	s8 =	simm.s32 $0x0;
	s20 =	sshll.u32 s6, $0x1;
	s6 =	sadd.s32 s21, s4  }
0x9e: {  	[timem:s8], [sflag:s22] =	dma.local [hbm:s6], s20  }
0x9f: {  	_ =	swait.ge [sflag:s22], s20  }
0xa0: {  	s5 =	ssub.s32 $0x0, s20;
	[sflag:s22] =	ssyncset.done $0x0  }
0xa1: {  	[sflag:s22] =	ssyncadd.s32 s5;
	_ =	sdelay $0x1  }
0xa2: {  	s23 =	simm.s32 $0x1B8B  }
0xa3: {  	_ =	swait.ge [sflag:s23], $0x1  }
0xa4: {  	[sflag:s23] =	ssyncset.done $0x0  }
0xa5: {  	s25 =	simm.s32 $0x1B8E;
	s24 =	sld [smem:$0x3FFE];
	[sflag:s23] =	ssyncadd.s32 $0xFFFFFFFF  }
0xa6: {  	s26 =	simm.s32 $execute0_lowered;
	[smem:$0x3FD2] =	sst s25  }
0xa7: {  	s6 =	sshll.u32 s26, $0x1;
	_ =	strace $0x80000046;
	[dreg:$0x1] =	wrdreg $0xFFFFFFFF  }
0xa8: {  	s28 =	simm.s32 $_size_execute0_lowered;
	s4 =	sadd.s32 s4, s6;
	[dreg:$0x0] =	wrdreg $0x0  }
0xa9: {  	s6 =	sshll.u32 s28, $0x1;
	[dreg:$0x2] =	wrdreg s4  }
0xaa: {  	[dreg:$0x3] =	wrdreg s6  }
0xab: {  	[dreg:$0x4] =	wrdreg $0xC0  }
0xac: {  	_ =	task [dreg:s8], $0x5FFFF  }
0xad: {  	[dreg:$0x1] =	wrdreg $0xFFFFFFFF  }
0xae: {  	[dreg:$0x0] =	wrdreg $0x60  }
0xaf: {  	[dreg:$0x2] =	wrdreg s2  }
0xb0: {  	[dreg:$0x3] =	wrdreg s18  }
0xb1: {  	[dreg:$0x4] =	wrdreg s24  }
0xb2: {  	[dreg:$0x5] =	wrdreg $0x9  }
0xb3: {  	_ =	task.clear_ibuf [dreg:s8], $0x6FFFF;
	_ =	strace $0x90000046  }
0xb4: {  	s29 =	simm.s32 $0x9;
	_ =	strace $0x80000048  }
0xb5: {  	_ =	swait.ge [sflag:s29], $0x1  }
0xb6: {  	[sflag:s29] =	ssyncadd.s32 $0xFFFFFFFF  }
0xb7: {  	_ =	strace $0x90000048  }
0xb8: {  	_ =	sfence  }
0xb9: {  	s30 =	sld [smem:$0x0];
	_ =	sdelay $0x2  }
0xba: {  	s31 =	sshll.u32 s1, $0xD;
	s1 =	sshrl.u32 s1, $0x2  }
0xbb: {  	s3 =	sand.u32 $0x4000, s31;
	s1 =	sadd.s32 s1, s30  }
0xbc: {  	s0 =	sor.u32 s3, s0;
	s1 =	sshll.u32 s1, $0x11  }
0xbd: {  	s0 =	sor.u32 s1, s0  }
0xbe: {  	s0 =	sadd.s32 $0x8F2B, s0  }
0xbf: {  	[sflag:s0] =	ssyncadd.remote.s32 $0x1  }
0xc0: {  	_ =	sfence.sel $0xFFFF  }
0xc1: {  	[dreg:$0x0] =	wrdreg $0xFFFFFFFF;
	(pc) =	sbr.abs _section_cstart, $3  }
0xc2: {  	[dreg:$0x1] =	wrdreg $0xFFFFFFFF  }
0xc3: {  	_ =	task.clear_ibuf [dreg:s8], $0x2FFFF;
	_ =	strace $0x9FFFFFFF  }
0xc4: {  	(tm) =	ssettm $0x7FFFFFFF  }
0xc5: {  	_ =	shalt  }
tec
execute0_lowered:
.L_overlay_start_1:
0x0: {  	(tag) =	ssettag $0x1  }
0x1: {  	s5 =	rddreg [dreg:$0x0]  }
0x2: {  	s7 =	rddreg [dreg:$0x1]  }
0x3: {  	s6 =	rddreg [dreg:$0x2]  }
0x4: {  	s0 =	rddreg [dreg:$0x3];
	s2 =	simm.s32 $0x0;
	s4 =	srdreg.scid  }
0x5: {  	s1 =	stileid.u32;
	s12 =	simm.s32 $0x200;
	s13 =	simm.s32 $0x600  }
0x6: {  	s14 =	simm.s32 $0x280;
	s15 =	simm.s32 $0x4600;
	s16 =	simm.s32 $0x300  }
0x7: {  	s17 =	simm.s32 $0x8600;
	s18 =	simm.s32 $0x380;
	s19 =	simm.s32 $0xC600  }
0x8: {  	s20 =	simm.s32 $0x1;
	s21 =	simm.s32 $0x400;
	s22 =	simm.s32 $0x10600  }
0x9: {  	s23 =	simm.s32 $0x0;
	[smem:$0x7FF] =	sst s2;
	s3 =	sadd.s32 $0x1A00, s6  }
0xa: {  	s8 =	sand.u32 $0x1, s4;
	s9 =	sshll.u32 s1, $0x1;
	s4 =	sadd.s32 $0x3E1A00, s6  }
0xb: {  	_ =	strace $0x80000047;
	s9 =	sor.u32 s8, s9;
	s8 =	ssub.s32 $0x2, s8  }
0xc: {  	s10 =	sshll.u32 s9, $0xB;
	s11 =	sshrl.u32 s8, $0x1;
	s9 =	sshll.u32 s9, $0x6  }
0xd: {  	s10 =	sadd.s32 s10, s6;
	s11 =	ssub.s32 s8, s11;
	s5 =	sadd.s32 s5, s9  }
0xe: {  	s7 =	sadd.s32 s7, s9;
	s6 =	sadd.s32 $0x7C1A00, s10;
	s8 =	sadd.s32 $0x7D1A00, s10  }
0xf: {  	v0 =	vlaneseq.u32;
	s9 =	smax.u32 s11, $0x1;
	s10 =	simm.s32 $0x2;
	s11 =	simm.s32 $0x80  }
.LBB2_1:
0x10: {  	[tilespmem:s2], [sflag:$0x2] =	stream.linear.gather [hbm4b:s5+s2], $0x200, $0x38;
	[tilespmem:$0x14600] =	vst v63  }
0x11: {  	_ =	swait.ge [sflag:s10], $0x200  }
0x12: {  	[sflag:s10] =	ssyncset.done $0x0  }
0x13: {  	s24 =	simm.s32 $0x0;
	[sflag:s10] =	ssyncadd.s32 $0xFFFFFE00  }
0x14: {  	v1 =	vld [tilespmem:s24+$0x0]  }
0x15: {  	s25 =	simm.s32 $0x40  }
.LBB2_2:
0x16: {  	_ = 	snop  }
0x17: {  	p0 =	sne.s32 s25, $0x7C0  }
.Ltmp0:
0x18: {  	_ = 	snop;
	(pc) =	sbr.rel @p0 .LBB2_2-.Ltmp0, $4  }
0x19: {  	v2 =	vshrl.u32 v1, $0x2;
	v3 =	vshrl.u32 v1, $0xC  }
0x1a: {  	s26 =	sshra.s32 s25, $0x2;
	v4 =	vand.u32 $0xFFF, v1;
	v2 =	vand.u32 $0x3FFFF000, v2;
	v3 =	vand.u32 $0x3, v3  }
0x1b: {  	v1 =	vld [tilespmem:s26+$0x0];
	v2 =	vor.u32 v4, v2;
	[tilespmem:s24+$0x400] =	vst v3  }
0x1c: {  	s25 =	sadd.s32 $0x40, s25;
	[tilespmem:s24+$0x200] =	vst v2;
	s24 =	smov.u32 s26  }
0x1d: {  	_ =	sdelay $0x2  }
0x1e: {  	v2 =	vshrl.u32 v1, $0x2;
	v3 =	vshrl.u32 v1, $0xC  }
0x1f: {  	v1 =	vand.u32 $0xFFF, v1;
	v2 =	vand.u32 $0x3FFFF000, v2;
	v3 =	vand.u32 $0x3, v3  }
0x20: {  	v1 =	vor.u32 v1, v2;
	[tilespmem:s24+$0x400] =	vst v3  }
0x21: {  	[tilespmem:s24+$0x200] =	vst v1  }
0x22: {  	[tilespmem:s13], [sflag:$0x1] =	stream.indirect.gather [hbm4b:s3+s11], $0x80, s12, s11, $0xb8;
	[tilespmem:$0x14600] =	vst v63  }
0x23: {  	_ = 	snop  }
0x24: {  	[tilespmem:s15], [sflag:$0x1] =	stream.indirect.gather [hbm4b:s3+s11], $0x80, s14, s11, $0xb8;
	[tilespmem:$0x14600] =	vst v63  }
0x25: {  	_ = 	snop  }
0x26: {  	[tilespmem:s17], [sflag:$0x1] =	stream.indirect.gather [hbm4b:s3+s11], $0x80, s16, s11, $0xb8;
	[tilespmem:$0x14600] =	vst v63  }
0x27: {  	_ = 	snop  }
0x28: {  	[tilespmem:s19], [sflag:$0x1] =	stream.indirect.gather [hbm4b:s3+s11], $0x80, s18, s11, $0xb8;
	[tilespmem:$0x14600] =	vst v63  }
0x29: {  	_ =	swait.ge [sflag:s20], $0x4000  }
0x2a: {  	[sflag:s20] =	ssyncset.done $0x0  }
0x2b: {  	[sflag:s20] =	ssyncadd.s32 $0xFFFFC000  }
0x2c: {  	_ =	swait.ge [sflag:s20], $0x4000  }
0x2d: {  	[sflag:s20] =	ssyncset.done $0x0  }
0x2e: {  	s31 =	simm.s32 $0x0;
	[sflag:s20] =	ssyncadd.s32 $0xFFFFC000  }
0x2f: {  	v1 =	vmov s31;
	_ =	swait.ge [sflag:s20], $0x4000  }
0x30: {  	v1 =	vshrl.u32 v1, $0x5;
	[sflag:s20] =	ssyncset.done $0x0  }
0x31: {  	[sflag:s20] =	ssyncadd.s32 $0xFFFFC000  }
0x32: {  	_ =	swait.ge [sflag:s20], $0x4000  }
0x33: {  	[sflag:s20] =	ssyncset.done $0x0  }
0x34: {  	[sflag:s20] =	ssyncadd.s32 $0xFFFFC000  }
0x35: {  	v2 =	vld.idx.msk [tilespmem:v1+s21+$0x0], $0xffff;
	_ =	sdelay $0x3  }
0x36: {  	v3 =	vor.u32 s31, v0  }
0x37: {  	v3 =	vand.u32 $0x1F, v3;
	v2 =	vshll.u32 v2, $0x5  }
0x38: {  	v1 =	vshll.u32 v1, $0x7;
	v4 =	vand.u32 $0xFFFFFF80, v2;
	v2 =	vand.u32 $0x60, v2  }
0x39: {  	v2 =	vor.u32 v2, v3;
	v1 =	vadd.s32 v1, v4  }
0x3a: {  	v1 =	vor.u32 v2, v1;
	_ =	sdelay $0x3  }
0x3b: {  	s25 =	simm.s32 $0x10  }
0x3c: {  	v2 =	vmov s25;
	v1 =	vld.idx.msk [tilespmem:v1+s13+$0x0], $0xffff  }
0x3d: {  	v2 =	vshrl.u32 v2, $0x5;
	_ =	sdelay $0x2  }
0x3e: {  	s24 =	simm.s32 $0x10600  }
0x3f: {  	[tilespmem:s24+$0x0] =	vst v1  }
0x40: {  	v1 =	vld.idx.msk [tilespmem:v2+s21+$0x0], $0xffff;
	_ =	sdelay $0x3  }
0x41: {  	v3 =	vor.u32 s25, v0  }
0x42: {  	v3 =	vand.u32 $0x1F, v3;
	v1 =	vshll.u32 v1, $0x5  }
0x43: {  	v2 =	vshll.u32 v2, $0x7;
	v63 =	vand.u32 $0xFFFFFF80, v1;
	v1 =	vand.u32 $0x60, v1  }
0x44: {  	v1 =	vor.u32 v1, v3;
	v2 =	vadd.s32 v2, v63  }
0x45: {  	v1 =	vor.u32 v1, v2;
	_ =	sdelay $0x3  }
0x46: {  	s25 =	simm.s32 $0x20  }
0x47: {  	s26 =	simm.s32 $0x30;
	v2 =	vmov s25;
	v1 =	vld.idx.msk [tilespmem:v1+s13+$0x0], $0xffff  }
.LBB2_4:
0x48: {  	p0 =	sne.s32 s26, $0x3FF0;
	v2 =	vshrl.u32 v2, $0x5;
	_ =	sdelay $0x2  }
0x49: {  	s24 =	sadd.s32 $0x10, s24  }
0x4a: {  	[tilespmem:s24+$0x0] =	vst v1  }
0x4b: {  	v1 =	vld.idx.msk [tilespmem:v2+s21+$0x0], $0xffff;
	_ =	sdelay $0x4  }
0x4c: {  	v3 =	vor.u32 s25, v0;
	s25 =	smov.u32 s26  }
0x4d: {  	v3 =	vand.u32 $0x1F, v3;
	v1 =	vshll.u32 v1, $0x5  }
0x4e: {  	v2 =	vshll.u32 v2, $0x7;
	v4 =	vand.u32 $0xFFFFFF80, v1;
	v1 =	vand.u32 $0x60, v1  }
0x4f: {  	v1 =	vor.u32 v1, v3;
	v2 =	vadd.s32 v2, v4  }
0x50: {  	v1 =	vor.u32 v1, v2;
	_ =	sdelay $0x1  }
.Ltmp1:
0x51: {  	(pc) =	sbr.rel @p0 .LBB2_4-.Ltmp1, $3  }
0x52: {  	_ =	sdelay $0x1  }
0x53: {  	v1 =	vld.idx.msk [tilespmem:v1+s13+$0x0], $0xffff  }
0x54: {  	s26 =	sadd.s32 $0x10, s26;
	v2 =	vmov s25  }
0x55: {  	v2 =	vshrl.u32 v2, $0x5;
	_ =	sdelay $0x2  }
0x56: {  	s24 =	sadd.s32 $0x10, s24  }
0x57: {  	[tilespmem:s24+$0x0] =	vst v1  }
0x58: {  	v1 =	vld.idx.msk [tilespmem:v2+s21+$0x0], $0xffff;
	_ =	sdelay $0x3  }
0x59: {  	v3 =	vor.u32 s25, v0  }
0x5a: {  	v3 =	vand.u32 $0x1F, v3;
	v1 =	vshll.u32 v1, $0x5  }
0x5b: {  	v2 =	vshll.u32 v2, $0x7;
	v4 =	vand.u32 $0xFFFFFF80, v1;
	v1 =	vand.u32 $0x60, v1  }
0x5c: {  	v1 =	vor.u32 v1, v3;
	v2 =	vadd.s32 v2, v4  }
0x5d: {  	v1 =	vor.u32 v1, v2;
	_ =	sdelay $0x4  }
0x5e: {  	v1 =	vld.idx.msk [tilespmem:v1+s13+$0x0], $0xffff;
	_ =	sdelay $0x3  }
0x5f: {  	s24 =	sadd.s32 $0x10, s24  }
0x60: {  	s31 =	simm.s32 $0x0;
	[tilespmem:s24+$0x0] =	vst v1  }
0x61: {  	[hbm4b:s6+s31] =	stream.linear.scatter [tilespmem:s22], [sflag:$0x2], $0x4000, $0x38;
	[tilespmem:$0x14600] =	vst v63  }
0x62: {  	_ =	swait.ge [sflag:s10], $0x4000  }
0x63: {  	[sflag:s10] =	ssyncset.done $0x0  }
0x64: {  	[sflag:s10] =	ssyncadd.s32 $0xFFFFC000  }
0x65: {  	[tilespmem:s31], [sflag:$0x2] =	stream.linear.gather [hbm4b:s7+s31], $0x200, $0x38;
	[tilespmem:$0x14600] =	vst v63  }
0x66: {  	_ =	swait.ge [sflag:s10], $0x200  }
0x67: {  	[sflag:s10] =	ssyncset.done $0x0  }
0x68: {  	s24 =	simm.s32 $0x0;
	[sflag:s10] =	ssyncadd.s32 $0xFFFFFE00  }
0x69: {  	v1 =	vld [tilespmem:s24+$0x0]  }
0x6a: {  	s25 =	simm.s32 $0x40  }
.LBB2_6:
0x6b: {  	_ = 	snop  }
0x6c: {  	p0 =	sne.s32 s25, $0x7C0  }
.Ltmp2:
0x6d: {  	_ = 	snop;
	(pc) =	sbr.rel @p0 .LBB2_6-.Ltmp2, $4  }
0x6e: {  	v2 =	vshrl.u32 v1, $0x2;
	v3 =	vshrl.u32 v1, $0xC  }
0x6f: {  	s26 =	sshra.s32 s25, $0x2;
	v4 =	vand.u32 $0xFFF, v1;
	v2 =	vand.u32 $0x3FFFF000, v2;
	v3 =	vand.u32 $0x3, v3  }
0x70: {  	v1 =	vld [tilespmem:s26+$0x0];
	v2 =	vor.u32 v4, v2;
	[tilespmem:s24+$0x400] =	vst v3  }
0x71: {  	s25 =	sadd.s32 $0x40, s25;
	[tilespmem:s24+$0x200] =	vst v2;
	s24 =	smov.u32 s26  }
0x72: {  	_ =	sdelay $0x2  }
0x73: {  	v2 =	vshrl.u32 v1, $0x2;
	v3 =	vshrl.u32 v1, $0xC  }
0x74: {  	v1 =	vand.u32 $0xFFF, v1;
	v2 =	vand.u32 $0x3FFFF000, v2;
	v3 =	vand.u32 $0x3, v3  }
0x75: {  	v1 =	vor.u32 v1, v2;
	[tilespmem:s24+$0x400] =	vst v3  }
0x76: {  	[tilespmem:s24+$0x200] =	vst v1  }
0x77: {  	[tilespmem:s13], [sflag:$0x1] =	stream.indirect.gather [hbm4b:s4+s11], $0x80, s12, s11, $0xb8;
	[tilespmem:$0x14600] =	vst v63  }
0x78: {  	_ = 	snop  }
0x79: {  	[tilespmem:s15], [sflag:$0x1] =	stream.indirect.gather [hbm4b:s4+s11], $0x80, s14, s11, $0xb8;
	[tilespmem:$0x14600] =	vst v63  }
0x7a: {  	_ = 	snop  }
0x7b: {  	[tilespmem:s17], [sflag:$0x1] =	stream.indirect.gather [hbm4b:s4+s11], $0x80, s16, s11, $0xb8;
	[tilespmem:$0x14600] =	vst v63  }
0x7c: {  	_ = 	snop  }
0x7d: {  	[tilespmem:s19], [sflag:$0x1] =	stream.indirect.gather [hbm4b:s4+s11], $0x80, s18, s11, $0xb8;
	[tilespmem:$0x14600] =	vst v63  }
0x7e: {  	_ =	swait.ge [sflag:s20], $0x4000  }
0x7f: {  	[sflag:s20] =	ssyncset.done $0x0  }
0x80: {  	[sflag:s20] =	ssyncadd.s32 $0xFFFFC000  }
0x81: {  	_ =	swait.ge [sflag:s20], $0x4000  }
0x82: {  	[sflag:s20] =	ssyncset.done $0x0  }
0x83: {  	s31 =	simm.s32 $0x0;
	[sflag:s20] =	ssyncadd.s32 $0xFFFFC000  }
0x84: {  	v1 =	vmov s31;
	_ =	swait.ge [sflag:s20], $0x4000  }
0x85: {  	v1 =	vshrl.u32 v1, $0x5;
	[sflag:s20] =	ssyncset.done $0x0  }
0x86: {  	[sflag:s20] =	ssyncadd.s32 $0xFFFFC000  }
0x87: {  	_ =	swait.ge [sflag:s20], $0x4000  }
0x88: {  	[sflag:s20] =	ssyncset.done $0x0  }
0x89: {  	[sflag:s20] =	ssyncadd.s32 $0xFFFFC000  }
0x8a: {  	v2 =	vld.idx.msk [tilespmem:v1+s21+$0x0], $0xffff;
	_ =	sdelay $0x3  }
0x8b: {  	v3 =	vor.u32 s31, v0  }
0x8c: {  	v3 =	vand.u32 $0x1F, v3;
	v2 =	vshll.u32 v2, $0x5  }
0x8d: {  	v1 =	vshll.u32 v1, $0x7;
	v4 =	vand.u32 $0xFFFFFF80, v2;
	v2 =	vand.u32 $0x60, v2  }
0x8e: {  	v2 =	vor.u32 v2, v3;
	v1 =	vadd.s32 v1, v4  }
0x8f: {  	v1 =	vor.u32 v2, v1;
	_ =	sdelay $0x3  }
0x90: {  	s25 =	simm.s32 $0x10  }
0x91: {  	v2 =	vmov s25;
	v1 =	vld.idx.msk [tilespmem:v1+s13+$0x0], $0xffff  }
0x92: {  	v2 =	vshrl.u32 v2, $0x5;
	_ =	sdelay $0x2  }
0x93: {  	s24 =	simm.s32 $0x10600  }
0x94: {  	[tilespmem:s24+$0x0] =	vst v1  }
0x95: {  	v1 =	vld.idx.msk [tilespmem:v2+s21+$0x0], $0xffff;
	_ =	sdelay $0x3  }
0x96: {  	v3 =	vor.u32 s25, v0  }
0x97: {  	v3 =	vand.u32 $0x1F, v3;
	v1 =	vshll.u32 v1, $0x5  }
0x98: {  	v2 =	vshll.u32 v2, $0x7;
	v63 =	vand.u32 $0xFFFFFF80, v1;
	v1 =	vand.u32 $0x60, v1  }
0x99: {  	v1 =	vor.u32 v1, v3;
	v2 =	vadd.s32 v2, v63  }
0x9a: {  	v1 =	vor.u32 v1, v2;
	_ =	sdelay $0x3  }
0x9b: {  	s25 =	simm.s32 $0x20  }
0x9c: {  	s26 =	simm.s32 $0x30;
	v2 =	vmov s25;
	v1 =	vld.idx.msk [tilespmem:v1+s13+$0x0], $0xffff  }
.LBB2_8:
0x9d: {  	p0 =	sne.s32 s26, $0x3FF0;
	v2 =	vshrl.u32 v2, $0x5;
	_ =	sdelay $0x2  }
0x9e: {  	s24 =	sadd.s32 $0x10, s24  }
0x9f: {  	[tilespmem:s24+$0x0] =	vst v1  }
0xa0: {  	v1 =	vld.idx.msk [tilespmem:v2+s21+$0x0], $0xffff;
	_ =	sdelay $0x4  }
0xa1: {  	v3 =	vor.u32 s25, v0;
	s25 =	smov.u32 s26  }
0xa2: {  	v3 =	vand.u32 $0x1F, v3;
	v1 =	vshll.u32 v1, $0x5  }
0xa3: {  	v2 =	vshll.u32 v2, $0x7;
	v4 =	vand.u32 $0xFFFFFF80, v1;
	v1 =	vand.u32 $0x60, v1  }
0xa4: {  	v1 =	vor.u32 v1, v3;
	v2 =	vadd.s32 v2, v4  }
0xa5: {  	v1 =	vor.u32 v1, v2;
	_ =	sdelay $0x1  }
.Ltmp3:
0xa6: {  	(pc) =	sbr.rel @p0 .LBB2_8-.Ltmp3, $3  }
0xa7: {  	_ =	sdelay $0x1  }
0xa8: {  	v1 =	vld.idx.msk [tilespmem:v1+s13+$0x0], $0xffff  }
0xa9: {  	s26 =	sadd.s32 $0x10, s26;
	v2 =	vmov s25  }
0xaa: {  	v2 =	vshrl.u32 v2, $0x5;
	_ =	sdelay $0x2  }
0xab: {  	s24 =	sadd.s32 $0x10, s24  }
0xac: {  	[tilespmem:s24+$0x0] =	vst v1  }
0xad: {  	v1 =	vld.idx.msk [tilespmem:v2+s21+$0x0], $0xffff;
	_ =	sdelay $0x3  }
0xae: {  	v3 =	vor.u32 s25, v0  }
0xaf: {  	v3 =	vand.u32 $0x1F, v3;
	v1 =	vshll.u32 v1, $0x5  }
0xb0: {  	v2 =	vshll.u32 v2, $0x7;
	v4 =	vand.u32 $0xFFFFFF80, v1;
	v1 =	vand.u32 $0x60, v1  }
0xb1: {  	v1 =	vor.u32 v1, v3;
	v2 =	vadd.s32 v2, v4  }
0xb2: {  	v1 =	vor.u32 v1, v2;
	_ =	sdelay $0x4  }
0xb3: {  	v1 =	vld.idx.msk [tilespmem:v1+s13+$0x0], $0xffff;
	_ =	sdelay $0x2  }
0xb4: {  	s23 =	sadd.s32 $0x1, s23  }
0xb5: {  	p0 =	sne.s32 s23, s9;
	s24 =	sadd.s32 $0x10, s24  }
.Ltmp4:
0xb6: {  	[tilespmem:s24+$0x0] =	vst v1;
	(pc) =	sbr.rel @p0 .LBB2_1-.Ltmp4, $4  }
0xb7: {  	[hbm4b:s8+s2] =	stream.linear.scatter [tilespmem:s22], [sflag:$0x2], $0x4000, $0x38;
	[tilespmem:$0x14600] =	vst v63  }
0xb8: {  	_ =	swait.ge [sflag:s10], $0x4000  }
0xb9: {  	[sflag:s10] =	ssyncset.done $0x0  }
0xba: {  	[sflag:s10] =	ssyncadd.s32 $0xFFFFC000  }
0xbb: {  	_ =	sfence.sel $0x180000  }
0xbc: {  	[bflag:$0x0] =	sbarrier.arrive $0xFFFF  }
0xbd: {  	p0 =	sne.s32 s1, $0x0;
	_ =	strace $0x90000047  }
0xbe: {  	s0 =	sadd.s32 @!p0 $0x100000, s0;
	[bflag:$0x2] =	sbarrier.arrive $0xFFFF  }
0xbf: {  	[sflag:s0] =	ssyncadd.tile.s32 @!p0 $0x1;
	_ =	shalt  }
.Lfunc_end2:
_tile_overlayer_lowered:
.L_overlay_start_2:
0xc0: {  	(tag) =	ssettag $0x2  }
0xc1: {  	s0 =	rddreg [dreg:$0x0];
	s2 =	stileid.u32  }
0xc2: {  	s1 =	rddreg [dreg:$0x1];
	p0 =	sne.s32 s2, $0x0  }
0xc3: {  	s3 =	rddreg [dreg:$0x2];
	[bflag:$0x3] =	sbarrier.arrive $0xFFFF;
	s2 =	simm.s32 @!p0 $0x1C02  }
0xc4: {  	[timem:s3], [sflag:s2] =	dma.local @!p0 [hbm:s0], s1  }
0xc5: {  	s0 =	simm.s32 @!p0 $0x2  }
0xc6: {  	_ =	swait.ge @!p0 [sflag:s0], s1  }
0xc7: {  	s1 =	ssub.s32 @!p0 $0x0, s1;
	[sflag:s0] =	ssyncset.done @!p0 $0x0  }
0xc8: {  	[sflag:s0] =	ssyncadd.s32 @!p0 s1  }
0xc9: {  	[bflag:$0x3] =	sbarrier.arrive $0xFFFF  }
0xca: {  	_ =	shalt  }

</sc_bundles>
